<compile_context>
chip_gen: v7x
topology: tpu7x:2x2x1
jax: 0.10.2.dev20260603
libtpu: 0.0.44.dev20260713+nightly
codegen_flags: <defaults>
</compile_context>

<pallas_src>
import functools

import jax
import jax.numpy as jnp
from jax import lax
from jax.experimental import pallas as pl
from jax.experimental.pallas import tpu as pltpu
from jax.experimental.pallas import tpu_sc as plsc

_N_NODES = 100000
_N_PAD = 100352
_N_EDGES = 6400000

_NC = 2
_NS = 16
_L = 16

_N_ROWS = _N_EDGES // 64
_CB = 16
_N_CHUNKS = (_N_EDGES // 128) // _CB
_BASE_CHUNKS = _N_CHUNKS // _NS
_EXTRA = _N_CHUNKS - _BASE_CHUNKS * _NS
_PAIRS = _BASE_CHUNKS // 2


def _sc_scatter_body(idx_hbm, val_hbm, out_hbm, acc, idx0, val0, idx1, val1,
                     sem0, sem1):
  c = lax.axis_index("c")
  s = lax.axis_index("s")

  zero16 = jnp.zeros((_L,), jnp.float32)
  @plsc.parallel_loop(0, _N_PAD // _L, unroll=4)
  def _zero(j):
    acc[pl.ds(j * _L, _L)] = zero16

  iota2 = 2 * jnp.arange(_L, dtype=jnp.int32)

  def _issue(k, ib, vb, sem):
    rows = 2 * ((s + k * _NS) * _CB) + iota2
    pltpu.async_copy(idx_hbm.at[rows + 1], ib, sem)
    pltpu.async_copy(val_hbm.at[rows + c], vb, sem)

  def _wait(ib, vb, sem):
    pltpu.make_async_copy(idx_hbm.at[iota2], ib, sem).wait()
    pltpu.make_async_copy(val_hbm.at[iota2], vb, sem).wait()

  def _compute(ib, vb):
    @plsc.parallel_loop(0, _CB, unroll=2)
    def _blk(j):
      for t in range(128 // _L):
        d = ib[j, pl.ds(t * _L, _L)]
        v = vb[j, pl.ds(t * _L, _L)]
        plsc.addupdate_scatter(acc, [d], v)

  _issue(0, idx0, val0, sem0)

  def _pair(k, carry):
    _issue(2 * k + 1, idx1, val1, sem1)
    _wait(idx0, val0, sem0)
    _compute(idx0, val0)
    _issue(2 * k + 2, idx0, val0, sem0)
    _wait(idx1, val1, sem1)
    _compute(idx1, val1)
    return carry

  lax.fori_loop(0, _PAIRS, _pair, 0)

  @pl.when(s < _EXTRA)
  def _():
    _issue(_BASE_CHUNKS, idx1, val1, sem1)

  _wait(idx0, val0, sem0)
  _compute(idx0, val0)

  @pl.when(s < _EXTRA)
  def _():
    _wait(idx1, val1, sem1)
    _compute(idx1, val1)

  pltpu.sync_copy(acc, out_hbm.at[c * _NS + s])


_sc_scatter = functools.partial(
    pl.kernel,
    out_type=jax.ShapeDtypeStruct((_NC * _NS, _N_PAD), jnp.float32),
    mesh=plsc.VectorSubcoreMesh(core_axis_name="c", subcore_axis_name="s"),
    compiler_params=pltpu.CompilerParams(needs_layout_passes=False),
    scratch_types=[
        pltpu.VMEM((_N_PAD,), jnp.float32),
        pltpu.VMEM((_CB, 128), jnp.int32),
        pltpu.VMEM((_CB, 128), jnp.float32),
        pltpu.VMEM((_CB, 128), jnp.int32),
        pltpu.VMEM((_CB, 128), jnp.float32),
        pltpu.SemaphoreType.DMA,
        pltpu.SemaphoreType.DMA,
    ],
)(_sc_scatter_body)


_ROWS = 12544


def _mlp_body(vt_ref, p_ref, w1v_ref, w1a_ref, b1_ref, w2_ref, b2_ref,
              w3_ref, b3_ref, oref):
  vt = vt_ref[...]
  p = p_ref[...]
  h = lax.dot_general(vt, w1v_ref[...], (((0,), (0,)), ((), ())),
                      preferred_element_type=jnp.float32)
  h = h + lax.dot_general(p, w1a_ref[...], (((0,), (0,)), ((), ())),
                          preferred_element_type=jnp.float32)
  h = jnp.maximum(h + b1_ref[...], 0.0)
  h = jnp.maximum(
      jnp.dot(h, w2_ref[...], preferred_element_type=jnp.float32)
      + b2_ref[...], 0.0)
  o = lax.dot_general(w3_ref[...], h, (((1,), (1,)), ((), ())),
                      preferred_element_type=jnp.float32)
  oref[...] = o + b3_ref[...]


def _mlp(vt, partials, w1v, w1a, b1, w2t, b2, w3r, b3):
  grid = _N_PAD // _ROWS
  return pl.pallas_call(
      _mlp_body,
      out_shape=jax.ShapeDtypeStruct((1, _N_NODES), jnp.float32),
      grid=(grid,),
      in_specs=[
          pl.BlockSpec((3, _ROWS), lambda i: (0, i)),
          pl.BlockSpec((_NC * _NS, _ROWS), lambda i: (0, i)),
          pl.BlockSpec((3, 50), lambda i: (0, 0)),
          pl.BlockSpec((_NC * _NS, 50), lambda i: (0, 0)),
          pl.BlockSpec((1, 50), lambda i: (0, 0)),
          pl.BlockSpec((50, 20), lambda i: (0, 0)),
          pl.BlockSpec((1, 20), lambda i: (0, 0)),
          pl.BlockSpec((1, 20), lambda i: (0, 0)),
          pl.BlockSpec((1, 1), lambda i: (0, 0)),
      ],
      out_specs=pl.BlockSpec((1, _ROWS), lambda i: (0, i)),
  )(vt, partials, w1v, w1a, b1, w2t, b2, w3r, b3)


def kernel(vertex_attr, edge_index, edge_attr, g, batch, W1, b1, W2, b2,
           W3, b3):
  del g, batch
  nb = _N_EDGES // 128
  idxv = edge_index.reshape(2, nb, 128).transpose(1, 0, 2)
  idxv = idxv.reshape(_N_ROWS, 128)
  vals = edge_attr.reshape(nb, 128, 2).transpose(0, 2, 1)
  vals = vals.reshape(_N_ROWS, 128)

  partials = _sc_scatter(idxv, vals)

  w1t = W1.T
  w1v = w1t[:3]
  w1a = jnp.concatenate([
      jnp.broadcast_to(w1t[3:4], (_NS, 50)),
      jnp.broadcast_to(w1t[4:5], (_NS, 50)),
  ], axis=0)

  out = _mlp(vertex_attr.T, partials, w1v, w1a, b1.reshape(1, 50),
             W2.T, b2.reshape(1, 20), W3.reshape(1, 20),
             b3.reshape(1, 1))
  return out.reshape(_N_NODES, 1)

# --- scband reference (transcript-rebuilt; emitter-appended) ---
"""Pipeline reference for scband-vertex-update-69621419868748 (READ-ONLY COPY).

The authoritative reference and input builder live on the scoring server;
editing this copy changes nothing except your own understanding.
"""

import jax, jax.numpy as jnp
import numpy as np

N_NODES = 100000
N_EDGES = 6400000


def setup_inputs(seed: int = 0) -> dict:
    key = jax.random.key(seed)
    ks = jax.random.split(key, 8)
    vertex_attr = jax.random.normal(ks[0], (N_NODES, 3), dtype=jnp.float32)
    edge_index = jax.random.randint(ks[1], (2, N_EDGES), 0, N_NODES, dtype=jnp.int32)
    edge_attr = jax.random.normal(ks[2], (N_EDGES, 2), dtype=jnp.float32)
    g = 1
    batch = jnp.zeros((N_NODES,), dtype=jnp.int32)
    # MLP params (torch Linear convention: y = x @ W.T + b), init per init_weights:
    # weights uniform [0,1), biases 0.01
    W1 = jax.random.uniform(ks[3], (50, 5), dtype=jnp.float32)
    b1 = jnp.full((50,), 0.01, dtype=jnp.float32)
    W2 = jax.random.uniform(ks[4], (20, 50), dtype=jnp.float32)
    b2 = jnp.full((20,), 0.01, dtype=jnp.float32)
    W3 = jax.random.uniform(ks[5], (1, 20), dtype=jnp.float32)
    b3 = jnp.full((1,), 0.01, dtype=jnp.float32)
    return {
        "vertex_attr": vertex_attr,
        "edge_index": edge_index,
        "edge_attr": edge_attr,
        "g": g,
        "batch": batch,
        "W1": W1, "b1": b1,
        "W2": W2, "b2": b2,
        "W3": W3, "b3": b3,
    }


def reference(vertex_attr, edge_index, edge_attr, g, batch, W1, b1, W2, b2, W3, b3):
    num_nodes = vertex_attr.shape[0]
    # edge_agg: scatter-add of edge_attr onto destination nodes (edge_index[1])
    dst = edge_index[1]
    agg_edges = jax.ops.segment_sum(edge_attr, dst, num_segments=num_nodes)
    update_input = jnp.concatenate([vertex_attr, agg_edges], axis=1)  # [N, 5]
    h = jax.nn.relu(update_input @ W1.T + b1)
    h = jax.nn.relu(h @ W2.T + b2)
    out = h @ W3.T + b3
    return out

if __name__ == "__main__":
    import jax
    _d = setup_inputs()
    print(jax.jit(kernel)(*tuple(_d.values())))

</pallas_src>

<mosaic_0001>
#map = affine_map<(d0, d1) -> (0, 0)>
module attributes {stable_mosaic.version = 14 : i64} {
  func.func @_sc_scatter_body(%arg0: i32, %arg1: i32, %arg2: memref<100000x128xi32, #tpu.memory_space<hbm>>, %arg3: memref<100000x128xf32, #tpu.memory_space<hbm>>, %arg4: memref<32x100352xf32, #tpu.memory_space<hbm>>, %arg5: memref<100352xf32, #tpu.memory_space<vmem>>, %arg6: memref<16x128xi32, #tpu.memory_space<vmem>>, %arg7: memref<16x128xf32, #tpu.memory_space<vmem>>, %arg8: memref<16x128xi32, #tpu.memory_space<vmem>>, %arg9: memref<16x128xf32, #tpu.memory_space<vmem>>, %arg10: memref<!tpu.dma_semaphore, #tpu.memory_space<semaphore_mem>>, %arg11: memref<!tpu.dma_semaphore, #tpu.memory_space<semaphore_mem>>) attributes {dimension_semantics = [#tpu.dimension_semantics<core_parallel>, #tpu.dimension_semantics<subcore_parallel>], iteration_bounds = array<i64: 2, 16>, scalar_prefetch = 0 : i64, scratch_operands = 7 : i64, tpu.core_type = #tpu.core_type<sc_vector_subcore>, window_params = [{transform_indices = #map}, {transform_indices = #map}, {transform_indices = #map}]} {
    %broadcast_in_dim3A = arith.constant 0.000000e+00 : f32
    %broadcast_in_dim3A_0 = vector.broadcast %broadcast_in_dim3A : f32 to vector<16xf32>
    %parallel_loop3A = arith.constant 0 : i32
    %parallel_loop3A_1 = arith.constant 6272 : i32
    %parallel_loop3A_2 = arith.constant 1 : i32
    scf.for %parallel_loop3A_45 = %parallel_loop3A to %parallel_loop3A_1 step %parallel_loop3A_2  : i32 {
      %parallel_loop3A_46 = arith.constant 16 : i32
      %parallel_loop3A_47 = arith.muli %parallel_loop3A_45, %parallel_loop3A_46 : i32
      %parallel_loop3A_48 = arith.index_cast %parallel_loop3A_47 : i32 to index
      %parallel_loop3A_49 = tpu.vector_load %arg5[%parallel_loop3A_48] {strides = array<i32>} : memref<100352xf32, #tpu.memory_space<vmem>>, vector<16xf32>,
      tpu.vector_store %arg5[%parallel_loop3A_48], %broadcast_in_dim3A_0 {strides = array<i32>} : memref<100352xf32, #tpu.memory_space<vmem>>, vector<16xf32>,
    } {sc.loop_unroll_factor = 4 : i64, sc.parallel_access}
    %iota3A = tpu.iota {dimensions = array<i32: 0>} : vector<16xi32>
    %mul3A = arith.constant 2 : i32
    %mul3A_3 = vector.broadcast %mul3A : i32 to vector<16xi32>
    %mul3A_4 = arith.muli %mul3A_3, %iota3A : vector<16xi32>
    %add3A = arith.constant 0 : i32
    %add3A_5 = arith.addi %arg1, %add3A : i32
    %mul3A_6 = arith.constant 16 : i32
    %mul3A_7 = arith.muli %add3A_5, %mul3A_6 : i32
    %mul3A_8 = arith.constant 2 : i32
    %mul3A_9 = arith.muli %mul3A_8, %mul3A_7 : i32
    %add3A_10 = vector.broadcast %mul3A_9 : i32 to vector<16xi32>
    %add3A_11 = arith.addi %add3A_10, %mul3A_4 : vector<16xi32>
    %add3A_12 = arith.constant 1 : i32
    %add3A_13 = vector.broadcast %add3A_12 : i32 to vector<16xi32>
    %add3A_14 = arith.addi %add3A_11, %add3A_13 : vector<16xi32>
    %dma_start3A = arith.constant 0 : i32
    %dma_start3A_15 = arith.constant 0 : i32
    %dma_start3A_16 = tpu.memref_slice %arg2[%dma_start3A, %dma_start3A_15] : memref<100000x128xi32, #tpu.memory_space<hbm>> -> memref<100000x128xi32, #tpu.memory_space<hbm>>
    tpu.enqueue_indirect_dma source(%dma_start3A_16 : memref<100000x128xi32, #tpu.memory_space<hbm>>) target(%arg6 : memref<16x128xi32, #tpu.memory_space<vmem>>) offsets(%add3A_14 : vector<16xi32>) semaphore(%arg10 : memref<!tpu.dma_semaphore, #tpu.memory_space<semaphore_mem>>)
    %add3A_17 = vector.broadcast %arg0 : i32 to vector<16xi32>
    %add3A_18 = arith.addi %add3A_11, %add3A_17 : vector<16xi32>
    %dma_start3A_19 = arith.constant 0 : i32
    %dma_start3A_20 = arith.constant 0 : i32
    %dma_start3A_21 = tpu.memref_slice %arg3[%dma_start3A_19, %dma_start3A_20] : memref<100000x128xf32, #tpu.memory_space<hbm>> -> memref<100000x128xf32, #tpu.memory_space<hbm>>
    tpu.enqueue_indirect_dma source(%dma_start3A_21 : memref<100000x128xf32, #tpu.memory_space<hbm>>) target(%arg7 : memref<16x128xf32, #tpu.memory_space<vmem>>) offsets(%add3A_18 : vector<16xi32>) semaphore(%arg10 : memref<!tpu.dma_semaphore, #tpu.memory_space<semaphore_mem>>)
    %scan3A = arith.constant 0 : i32
    %scan3A_22 = arith.constant 0 : i32
    %scan3A_23 = arith.constant 97 : i32
    %scan3A_24 = arith.addi %scan3A_22, %scan3A_23 : i32
    %scan3A_25 = arith.constant 1 : i32
    scf.for %scan3A_45 = %scan3A_22 to %scan3A_24 step %scan3A_25  : i32 {
      %mul3A_46 = arith.constant 2 : i32
      %mul3A_47 = arith.muli %mul3A_46, %scan3A_45 : i32
      %add3A_48 = arith.constant 1 : i32
      %add3A_49 = arith.addi %mul3A_47, %add3A_48 : i32
      %mul3A_50 = arith.constant 16 : i32
      %mul3A_51 = arith.muli %add3A_49, %mul3A_50 : i32
      %add3A_52 = arith.addi %arg1, %mul3A_51 : i32
      %mul3A_53 = arith.constant 16 : i32
      %mul3A_54 = arith.muli %add3A_52, %mul3A_53 : i32
      %mul3A_55 = arith.constant 2 : i32
      %mul3A_56 = arith.muli %mul3A_55, %mul3A_54 : i32
      %add3A_57 = vector.broadcast %mul3A_56 : i32 to vector<16xi32>
      %add3A_58 = arith.addi %add3A_57, %mul3A_4 : vector<16xi32>
      %add3A_59 = arith.constant 1 : i32
      %add3A_60 = vector.broadcast %add3A_59 : i32 to vector<16xi32>
      %add3A_61 = arith.addi %add3A_58, %add3A_60 : vector<16xi32>
      %dma_start3A_62 = arith.constant 0 : i32
      %dma_start3A_63 = arith.constant 0 : i32
      %dma_start3A_64 = tpu.memref_slice %arg2[%dma_start3A_62, %dma_start3A_63] : memref<100000x128xi32, #tpu.memory_space<hbm>> -> memref<100000x128xi32, #tpu.memory_space<hbm>>
      tpu.enqueue_indirect_dma source(%dma_start3A_64 : memref<100000x128xi32, #tpu.memory_space<hbm>>) target(%arg8 : memref<16x128xi32, #tpu.memory_space<vmem>>) offsets(%add3A_61 : vector<16xi32>) semaphore(%arg11 : memref<!tpu.dma_semaphore, #tpu.memory_space<semaphore_mem>>)
      %add3A_65 = vector.broadcast %arg0 : i32 to vector<16xi32>
      %add3A_66 = arith.addi %add3A_58, %add3A_65 : vector<16xi32>
      %dma_start3A_67 = arith.constant 0 : i32
      %dma_start3A_68 = arith.constant 0 : i32
      %dma_start3A_69 = tpu.memref_slice %arg3[%dma_start3A_67, %dma_start3A_68] : memref<100000x128xf32, #tpu.memory_space<hbm>> -> memref<100000x128xf32, #tpu.memory_space<hbm>>
      tpu.enqueue_indirect_dma source(%dma_start3A_69 : memref<100000x128xf32, #tpu.memory_space<hbm>>) target(%arg9 : memref<16x128xf32, #tpu.memory_space<vmem>>) offsets(%add3A_66 : vector<16xi32>) semaphore(%arg11 : memref<!tpu.dma_semaphore, #tpu.memory_space<semaphore_mem>>)
      %dma_wait3A_70 = arith.constant 0 : i32
      %dma_wait3A_71 = arith.constant 0 : i32
      %dma_wait3A_72 = tpu.memref_slice %arg2[%dma_wait3A_70, %dma_wait3A_71] : memref<100000x128xi32, #tpu.memory_space<hbm>> -> memref<100000x128xi32, #tpu.memory_space<hbm>>
      tpu.wait_indirect_dma semaphore(%arg10 : memref<!tpu.dma_semaphore, #tpu.memory_space<semaphore_mem>>) src(%dma_wait3A_72 : memref<100000x128xi32, #tpu.memory_space<hbm>>) dst(%arg6 : memref<16x128xi32, #tpu.memory_space<vmem>>)
      %dma_wait3A_73 = arith.constant 0 : i32
      %dma_wait3A_74 = arith.constant 0 : i32
      %dma_wait3A_75 = tpu.memref_slice %arg3[%dma_wait3A_73, %dma_wait3A_74] : memref<100000x128xf32, #tpu.memory_space<hbm>> -> memref<100000x128xf32, #tpu.memory_space<hbm>>
      tpu.wait_indirect_dma semaphore(%arg10 : memref<!tpu.dma_semaphore, #tpu.memory_space<semaphore_mem>>) src(%dma_wait3A_75 : memref<100000x128xf32, #tpu.memory_space<hbm>>) dst(%arg7 : memref<16x128xf32, #tpu.memory_space<vmem>>)
      %parallel_loop3A_76 = arith.constant 0 : i32
      %parallel_loop3A_77 = arith.constant 16 : i32
      %parallel_loop3A_78 = arith.constant 1 : i32
      scf.for %parallel_loop3A_112 = %parallel_loop3A_76 to %parallel_loop3A_77 step %parallel_loop3A_78  : i32 {
        %parallel_loop3A_113 = arith.index_cast %parallel_loop3A_112 : i32 to index
        %parallel_loop3A_114 = arith.constant 0 : index
        %parallel_loop3A_115 = tpu.vector_load %arg6[%parallel_loop3A_113, %parallel_loop3A_114] {strides = array<i32>} : memref<16x128xi32, #tpu.memory_space<vmem>>, vector<16xi32>,
        %parallel_loop3A_116 = arith.index_cast %parallel_loop3A_112 : i32 to index
        %parallel_loop3A_117 = arith.constant 0 : index
        %parallel_loop3A_118 = tpu.vector_load %arg7[%parallel_loop3A_116, %parallel_loop3A_117] {strides = array<i32>} : memref<16x128xf32, #tpu.memory_space<vmem>>, vector<16xf32>,
        tpu.vector_store_idx %arg5[%parallel_loop3A_115], %parallel_loop3A_118 {add = true} : memref<100352xf32, #tpu.memory_space<vmem>>[vector<16xi32>], vector<16xf32>,
        %parallel_loop3A_119 = arith.index_cast %parallel_loop3A_112 : i32 to index
        %parallel_loop3A_120 = arith.constant 16 : index
        %parallel_loop3A_121 = tpu.vector_load %arg6[%parallel_loop3A_119, %parallel_loop3A_120] {strides = array<i32>} : memref<16x128xi32, #tpu.memory_space<vmem>>, vector<16xi32>,
        %parallel_loop3A_122 = arith.index_cast %parallel_loop3A_112 : i32 to index
        %parallel_loop3A_123 = arith.constant 16 : index
        %parallel_loop3A_124 = tpu.vector_load %arg7[%parallel_loop3A_122, %parallel_loop3A_123] {strides = array<i32>} : memref<16x128xf32, #tpu.memory_space<vmem>>, vector<16xf32>,
        tpu.vector_store_idx %arg5[%parallel_loop3A_121], %parallel_loop3A_124 {add = true} : memref<100352xf32, #tpu.memory_space<vmem>>[vector<16xi32>], vector<16xf32>,
        %parallel_loop3A_125 = arith.index_cast %parallel_loop3A_112 : i32 to index
        %parallel_loop3A_126 = arith.constant 32 : index
        %parallel_loop3A_127 = tpu.vector_load %arg6[%parallel_loop3A_125, %parallel_loop3A_126] {strides = array<i32>} : memref<16x128xi32, #tpu.memory_space<vmem>>, vector<16xi32>,
        %parallel_loop3A_128 = arith.index_cast %parallel_loop3A_112 : i32 to index
        %parallel_loop3A_129 = arith.constant 32 : index
        %parallel_loop3A_130 = tpu.vector_load %arg7[%parallel_loop3A_128, %parallel_loop3A_129] {strides = array<i32>} : memref<16x128xf32, #tpu.memory_space<vmem>>, vector<16xf32>,
        tpu.vector_store_idx %arg5[%parallel_loop3A_127], %parallel_loop3A_130 {add = true} : memref<100352xf32, #tpu.memory_space<vmem>>[vector<16xi32>], vector<16xf32>,
        %parallel_loop3A_131 = arith.index_cast %parallel_loop3A_112 : i32 to index
        %parallel_loop3A_132 = arith.constant 48 : index
        %parallel_loop3A_133 = tpu.vector_load %arg6[%parallel_loop3A_131, %parallel_loop3A_132] {strides = array<i32>} : memref<16x128xi32, #tpu.memory_space<vmem>>, vector<16xi32>,
        %parallel_loop3A_134 = arith.index_cast %parallel_loop3A_112 : i32 to index
        %parallel_loop3A_135 = arith.constant 48 : index
        %parallel_loop3A_136 = tpu.vector_load %arg7[%parallel_loop3A_134, %parallel_loop3A_135] {strides = array<i32>} : memref<16x128xf32, #tpu.memory_space<vmem>>, vector<16xf32>,
        tpu.vector_store_idx %arg5[%parallel_loop3A_133], %parallel_loop3A_136 {add = true} : memref<100352xf32, #tpu.memory_space<vmem>>[vector<16xi32>], vector<16xf32>,
        %parallel_loop3A_137 = arith.index_cast %parallel_loop3A_112 : i32 to index
        %parallel_loop3A_138 = arith.constant 64 : index
        %parallel_loop3A_139 = tpu.vector_load %arg6[%parallel_loop3A_137, %parallel_loop3A_138] {strides = array<i32>} : memref<16x128xi32, #tpu.memory_space<vmem>>, vector<16xi32>,
        %parallel_loop3A_140 = arith.index_cast %parallel_loop3A_112 : i32 to index
        %parallel_loop3A_141 = arith.constant 64 : index
        %parallel_loop3A_142 = tpu.vector_load %arg7[%parallel_loop3A_140, %parallel_loop3A_141] {strides = array<i32>} : memref<16x128xf32, #tpu.memory_space<vmem>>, vector<16xf32>,
        tpu.vector_store_idx %arg5[%parallel_loop3A_139], %parallel_loop3A_142 {add = true} : memref<100352xf32, #tpu.memory_space<vmem>>[vector<16xi32>], vector<16xf32>,
        %parallel_loop3A_143 = arith.index_cast %parallel_loop3A_112 : i32 to index
        %parallel_loop3A_144 = arith.constant 80 : index
        %parallel_loop3A_145 = tpu.vector_load %arg6[%parallel_loop3A_143, %parallel_loop3A_144] {strides = array<i32>} : memref<16x128xi32, #tpu.memory_space<vmem>>, vector<16xi32>,
        %parallel_loop3A_146 = arith.index_cast %parallel_loop3A_112 : i32 to index
        %parallel_loop3A_147 = arith.constant 80 : index
        %parallel_loop3A_148 = tpu.vector_load %arg7[%parallel_loop3A_146, %parallel_loop3A_147] {strides = array<i32>} : memref<16x128xf32, #tpu.memory_space<vmem>>, vector<16xf32>,
        tpu.vector_store_idx %arg5[%parallel_loop3A_145], %parallel_loop3A_148 {add = true} : memref<100352xf32, #tpu.memory_space<vmem>>[vector<16xi32>], vector<16xf32>,
        %parallel_loop3A_149 = arith.index_cast %parallel_loop3A_112 : i32 to index
        %parallel_loop3A_150 = arith.constant 96 : index
        %parallel_loop3A_151 = tpu.vector_load %arg6[%parallel_loop3A_149, %parallel_loop3A_150] {strides = array<i32>} : memref<16x128xi32, #tpu.memory_space<vmem>>, vector<16xi32>,
        %parallel_loop3A_152 = arith.index_cast %parallel_loop3A_112 : i32 to index
        %parallel_loop3A_153 = arith.constant 96 : index
        %parallel_loop3A_154 = tpu.vector_load %arg7[%parallel_loop3A_152, %parallel_loop3A_153] {strides = array<i32>} : memref<16x128xf32, #tpu.memory_space<vmem>>, vector<16xf32>,
        tpu.vector_store_idx %arg5[%parallel_loop3A_151], %parallel_loop3A_154 {add = true} : memref<100352xf32, #tpu.memory_space<vmem>>[vector<16xi32>], vector<16xf32>,
        %parallel_loop3A_155 = arith.index_cast %parallel_loop3A_112 : i32 to index
        %parallel_loop3A_156 = arith.constant 112 : index
        %parallel_loop3A_157 = tpu.vector_load %arg6[%parallel_loop3A_155, %parallel_loop3A_156] {strides = array<i32>} : memref<16x128xi32, #tpu.memory_space<vmem>>, vector<16xi32>,
        %parallel_loop3A_158 = arith.index_cast %parallel_loop3A_112 : i32 to index
        %parallel_loop3A_159 = arith.constant 112 : index
        %parallel_loop3A_160 = tpu.vector_load %arg7[%parallel_loop3A_158, %parallel_loop3A_159] {strides = array<i32>} : memref<16x128xf32, #tpu.memory_space<vmem>>, vector<16xf32>,
        tpu.vector_store_idx %arg5[%parallel_loop3A_157], %parallel_loop3A_160 {add = true} : memref<100352xf32, #tpu.memory_space<vmem>>[vector<16xi32>], vector<16xf32>,
      } {sc.loop_unroll_factor = 2 : i64, sc.parallel_access}
      %mul3A_79 = arith.constant 2 : i32
      %mul3A_80 = arith.muli %mul3A_79, %scan3A_45 : i32
      %add3A_81 = arith.constant 2 : i32
      %add3A_82 = arith.addi %mul3A_80, %add3A_81 : i32
      %mul3A_83 = arith.constant 16 : i32
      %mul3A_84 = arith.muli %add3A_82, %mul3A_83 : i32
      %add3A_85 = arith.addi %arg1, %mul3A_84 : i32
      %mul3A_86 = arith.constant 16 : i32
      %mul3A_87 = arith.muli %add3A_85, %mul3A_86 : i32
      %mul3A_88 = arith.constant 2 : i32
      %mul3A_89 = arith.muli %mul3A_88, %mul3A_87 : i32
      %add3A_90 = vector.broadcast %mul3A_89 : i32 to vector<16xi32>
      %add3A_91 = arith.addi %add3A_90, %mul3A_4 : vector<16xi32>
      %add3A_92 = arith.constant 1 : i32
      %add3A_93 = vector.broadcast %add3A_92 : i32 to vector<16xi32>
      %add3A_94 = arith.addi %add3A_91, %add3A_93 : vector<16xi32>
      %dma_start3A_95 = arith.constant 0 : i32
      %dma_start3A_96 = arith.constant 0 : i32
      %dma_start3A_97 = tpu.memref_slice %arg2[%dma_start3A_95, %dma_start3A_96] : memref<100000x128xi32, #tpu.memory_space<hbm>> -> memref<100000x128xi32, #tpu.memory_space<hbm>>
      tpu.enqueue_indirect_dma source(%dma_start3A_97 : memref<100000x128xi32, #tpu.memory_space<hbm>>) target(%arg6 : memref<16x128xi32, #tpu.memory_space<vmem>>) offsets(%add3A_94 : vector<16xi32>) semaphore(%arg10 : memref<!tpu.dma_semaphore, #tpu.memory_space<semaphore_mem>>)
      %add3A_98 = vector.broadcast %arg0 : i32 to vector<16xi32>
      %add3A_99 = arith.addi %add3A_91, %add3A_98 : vector<16xi32>
      %dma_start3A_100 = arith.constant 0 : i32
      %dma_start3A_101 = arith.constant 0 : i32
      %dma_start3A_102 = tpu.memref_slice %arg3[%dma_start3A_100, %dma_start3A_101] : memref<100000x128xf32, #tpu.memory_space<hbm>> -> memref<100000x128xf32, #tpu.memory_space<hbm>>
      tpu.enqueue_indirect_dma source(%dma_start3A_102 : memref<100000x128xf32, #tpu.memory_space<hbm>>) target(%arg7 : memref<16x128xf32, #tpu.memory_space<vmem>>) offsets(%add3A_99 : vector<16xi32>) semaphore(%arg10 : memref<!tpu.dma_semaphore, #tpu.memory_space<semaphore_mem>>)
      %dma_wait3A_103 = arith.constant 0 : i32
      %dma_wait3A_104 = arith.constant 0 : i32
      %dma_wait3A_105 = tpu.memref_slice %arg2[%dma_wait3A_103, %dma_wait3A_104] : memref<100000x128xi32, #tpu.memory_space<hbm>> -> memref<100000x128xi32, #tpu.memory_space<hbm>>
      tpu.wait_indirect_dma semaphore(%arg11 : memref<!tpu.dma_semaphore, #tpu.memory_space<semaphore_mem>>) src(%dma_wait3A_105 : memref<100000x128xi32, #tpu.memory_space<hbm>>) dst(%arg8 : memref<16x128xi32, #tpu.memory_space<vmem>>)
      %dma_wait3A_106 = arith.constant 0 : i32
      %dma_wait3A_107 = arith.constant 0 : i32
      %dma_wait3A_108 = tpu.memref_slice %arg3[%dma_wait3A_106, %dma_wait3A_107] : memref<100000x128xf32, #tpu.memory_space<hbm>> -> memref<100000x128xf32, #tpu.memory_space<hbm>>
      tpu.wait_indirect_dma semaphore(%arg11 : memref<!tpu.dma_semaphore, #tpu.memory_space<semaphore_mem>>) src(%dma_wait3A_108 : memref<100000x128xf32, #tpu.memory_space<hbm>>) dst(%arg9 : memref<16x128xf32, #tpu.memory_space<vmem>>)
      %parallel_loop3A_109 = arith.constant 0 : i32
      %parallel_loop3A_110 = arith.constant 16 : i32
      %parallel_loop3A_111 = arith.constant 1 : i32
      scf.for %parallel_loop3A_112 = %parallel_loop3A_109 to %parallel_loop3A_110 step %parallel_loop3A_111  : i32 {
        %parallel_loop3A_113 = arith.index_cast %parallel_loop3A_112 : i32 to index
        %parallel_loop3A_114 = arith.constant 0 : index
        %parallel_loop3A_115 = tpu.vector_load %arg8[%parallel_loop3A_113, %parallel_loop3A_114] {strides = array<i32>} : memref<16x128xi32, #tpu.memory_space<vmem>>, vector<16xi32>,
        %parallel_loop3A_116 = arith.index_cast %parallel_loop3A_112 : i32 to index
        %parallel_loop3A_117 = arith.constant 0 : index
        %parallel_loop3A_118 = tpu.vector_load %arg9[%parallel_loop3A_116, %parallel_loop3A_117] {strides = array<i32>} : memref<16x128xf32, #tpu.memory_space<vmem>>, vector<16xf32>,
        tpu.vector_store_idx %arg5[%parallel_loop3A_115], %parallel_loop3A_118 {add = true} : memref<100352xf32, #tpu.memory_space<vmem>>[vector<16xi32>], vector<16xf32>,
        %parallel_loop3A_119 = arith.index_cast %parallel_loop3A_112 : i32 to index
        %parallel_loop3A_120 = arith.constant 16 : index
        %parallel_loop3A_121 = tpu.vector_load %arg8[%parallel_loop3A_119, %parallel_loop3A_120] {strides = array<i32>} : memref<16x128xi32, #tpu.memory_space<vmem>>, vector<16xi32>,
        %parallel_loop3A_122 = arith.index_cast %parallel_loop3A_112 : i32 to index
        %parallel_loop3A_123 = arith.constant 16 : index
        %parallel_loop3A_124 = tpu.vector_load %arg9[%parallel_loop3A_122, %parallel_loop3A_123] {strides = array<i32>} : memref<16x128xf32, #tpu.memory_space<vmem>>, vector<16xf32>,
        tpu.vector_store_idx %arg5[%parallel_loop3A_121], %parallel_loop3A_124 {add = true} : memref<100352xf32, #tpu.memory_space<vmem>>[vector<16xi32>], vector<16xf32>,
        %parallel_loop3A_125 = arith.index_cast %parallel_loop3A_112 : i32 to index
        %parallel_loop3A_126 = arith.constant 32 : index
        %parallel_loop3A_127 = tpu.vector_load %arg8[%parallel_loop3A_125, %parallel_loop3A_126] {strides = array<i32>} : memref<16x128xi32, #tpu.memory_space<vmem>>, vector<16xi32>,
        %parallel_loop3A_128 = arith.index_cast %parallel_loop3A_112 : i32 to index
        %parallel_loop3A_129 = arith.constant 32 : index
        %parallel_loop3A_130 = tpu.vector_load %arg9[%parallel_loop3A_128, %parallel_loop3A_129] {strides = array<i32>} : memref<16x128xf32, #tpu.memory_space<vmem>>, vector<16xf32>,
        tpu.vector_store_idx %arg5[%parallel_loop3A_127], %parallel_loop3A_130 {add = true} : memref<100352xf32, #tpu.memory_space<vmem>>[vector<16xi32>], vector<16xf32>,
        %parallel_loop3A_131 = arith.index_cast %parallel_loop3A_112 : i32 to index
        %parallel_loop3A_132 = arith.constant 48 : index
        %parallel_loop3A_133 = tpu.vector_load %arg8[%parallel_loop3A_131, %parallel_loop3A_132] {strides = array<i32>} : memref<16x128xi32, #tpu.memory_space<vmem>>, vector<16xi32>,
        %parallel_loop3A_134 = arith.index_cast %parallel_loop3A_112 : i32 to index
        %parallel_loop3A_135 = arith.constant 48 : index
        %parallel_loop3A_136 = tpu.vector_load %arg9[%parallel_loop3A_134, %parallel_loop3A_135] {strides = array<i32>} : memref<16x128xf32, #tpu.memory_space<vmem>>, vector<16xf32>,
        tpu.vector_store_idx %arg5[%parallel_loop3A_133], %parallel_loop3A_136 {add = true} : memref<100352xf32, #tpu.memory_space<vmem>>[vector<16xi32>], vector<16xf32>,
        %parallel_loop3A_137 = arith.index_cast %parallel_loop3A_112 : i32 to index
        %parallel_loop3A_138 = arith.constant 64 : index
        %parallel_loop3A_139 = tpu.vector_load %arg8[%parallel_loop3A_137, %parallel_loop3A_138] {strides = array<i32>} : memref<16x128xi32, #tpu.memory_space<vmem>>, vector<16xi32>,
        %parallel_loop3A_140 = arith.index_cast %parallel_loop3A_112 : i32 to index
        %parallel_loop3A_141 = arith.constant 64 : index
        %parallel_loop3A_142 = tpu.vector_load %arg9[%parallel_loop3A_140, %parallel_loop3A_141] {strides = array<i32>} : memref<16x128xf32, #tpu.memory_space<vmem>>, vector<16xf32>,
        tpu.vector_store_idx %arg5[%parallel_loop3A_139], %parallel_loop3A_142 {add = true} : memref<100352xf32, #tpu.memory_space<vmem>>[vector<16xi32>], vector<16xf32>,
        %parallel_loop3A_143 = arith.index_cast %parallel_loop3A_112 : i32 to index
        %parallel_loop3A_144 = arith.constant 80 : index
        %parallel_loop3A_145 = tpu.vector_load %arg8[%parallel_loop3A_143, %parallel_loop3A_144] {strides = array<i32>} : memref<16x128xi32, #tpu.memory_space<vmem>>, vector<16xi32>,
        %parallel_loop3A_146 = arith.index_cast %parallel_loop3A_112 : i32 to index
        %parallel_loop3A_147 = arith.constant 80 : index
        %parallel_loop3A_148 = tpu.vector_load %arg9[%parallel_loop3A_146, %parallel_loop3A_147] {strides = array<i32>} : memref<16x128xf32, #tpu.memory_space<vmem>>, vector<16xf32>,
        tpu.vector_store_idx %arg5[%parallel_loop3A_145], %parallel_loop3A_148 {add = true} : memref<100352xf32, #tpu.memory_space<vmem>>[vector<16xi32>], vector<16xf32>,
        %parallel_loop3A_149 = arith.index_cast %parallel_loop3A_112 : i32 to index
        %parallel_loop3A_150 = arith.constant 96 : index
        %parallel_loop3A_151 = tpu.vector_load %arg8[%parallel_loop3A_149, %parallel_loop3A_150] {strides = array<i32>} : memref<16x128xi32, #tpu.memory_space<vmem>>, vector<16xi32>,
        %parallel_loop3A_152 = arith.index_cast %parallel_loop3A_112 : i32 to index
        %parallel_loop3A_153 = arith.constant 96 : index
        %parallel_loop3A_154 = tpu.vector_load %arg9[%parallel_loop3A_152, %parallel_loop3A_153] {strides = array<i32>} : memref<16x128xf32, #tpu.memory_space<vmem>>, vector<16xf32>,
        tpu.vector_store_idx %arg5[%parallel_loop3A_151], %parallel_loop3A_154 {add = true} : memref<100352xf32, #tpu.memory_space<vmem>>[vector<16xi32>], vector<16xf32>,
        %parallel_loop3A_155 = arith.index_cast %parallel_loop3A_112 : i32 to index
        %parallel_loop3A_156 = arith.constant 112 : index
        %parallel_loop3A_157 = tpu.vector_load %arg8[%parallel_loop3A_155, %parallel_loop3A_156] {strides = array<i32>} : memref<16x128xi32, #tpu.memory_space<vmem>>, vector<16xi32>,
        %parallel_loop3A_158 = arith.index_cast %parallel_loop3A_112 : i32 to index
        %parallel_loop3A_159 = arith.constant 112 : index
        %parallel_loop3A_160 = tpu.vector_load %arg9[%parallel_loop3A_158, %parallel_loop3A_159] {strides = array<i32>} : memref<16x128xf32, #tpu.memory_space<vmem>>, vector<16xf32>,
        tpu.vector_store_idx %arg5[%parallel_loop3A_157], %parallel_loop3A_160 {add = true} : memref<100352xf32, #tpu.memory_space<vmem>>[vector<16xi32>], vector<16xf32>,
      } {sc.loop_unroll_factor = 2 : i64, sc.parallel_access}
    }
    %scan3A_26 = arith.constant 97 : i32
    %lt3A = arith.constant 5 : i32
    %lt3A_27 = arith.cmpi slt, %arg1, %lt3A : i32
    %convert_element_type3A = arith.extui %lt3A_27 : i1 to i32
    %cond3A = arith.constant 0 : i32
    %cond3A_28 = arith.cmpi ne, %convert_element_type3A, %cond3A : i32
    scf.if %cond3A_28 {
      %add3A_45 = arith.constant 3120 : i32
      %add3A_46 = arith.addi %arg1, %add3A_45 : i32
      %mul3A_47 = arith.constant 16 : i32
      %mul3A_48 = arith.muli %add3A_46, %mul3A_47 : i32
      %mul3A_49 = arith.constant 2 : i32
      %mul3A_50 = arith.muli %mul3A_49, %mul3A_48 : i32
      %add3A_51 = vector.broadcast %mul3A_50 : i32 to vector<16xi32>
      %add3A_52 = arith.addi %add3A_51, %mul3A_4 : vector<16xi32>
      %add3A_53 = arith.constant 1 : i32
      %add3A_54 = vector.broadcast %add3A_53 : i32 to vector<16xi32>
      %add3A_55 = arith.addi %add3A_52, %add3A_54 : vector<16xi32>
      %dma_start3A_56 = arith.constant 0 : i32
      %dma_start3A_57 = arith.constant 0 : i32
      %dma_start3A_58 = tpu.memref_slice %arg2[%dma_start3A_56, %dma_start3A_57] : memref<100000x128xi32, #tpu.memory_space<hbm>> -> memref<100000x128xi32, #tpu.memory_space<hbm>>
      tpu.enqueue_indirect_dma source(%dma_start3A_58 : memref<100000x128xi32, #tpu.memory_space<hbm>>) target(%arg8 : memref<16x128xi32, #tpu.memory_space<vmem>>) offsets(%add3A_55 : vector<16xi32>) semaphore(%arg11 : memref<!tpu.dma_semaphore, #tpu.memory_space<semaphore_mem>>)
      %add3A_59 = vector.broadcast %arg0 : i32 to vector<16xi32>
      %add3A_60 = arith.addi %add3A_52, %add3A_59 : vector<16xi32>
      %dma_start3A_61 = arith.constant 0 : i32
      %dma_start3A_62 = arith.constant 0 : i32
      %dma_start3A_63 = tpu.memref_slice %arg3[%dma_start3A_61, %dma_start3A_62] : memref<100000x128xf32, #tpu.memory_space<hbm>> -> memref<100000x128xf32, #tpu.memory_space<hbm>>
      tpu.enqueue_indirect_dma source(%dma_start3A_63 : memref<100000x128xf32, #tpu.memory_space<hbm>>) target(%arg9 : memref<16x128xf32, #tpu.memory_space<vmem>>) offsets(%add3A_60 : vector<16xi32>) semaphore(%arg11 : memref<!tpu.dma_semaphore, #tpu.memory_space<semaphore_mem>>)
    } else {
    }
    %dma_wait3A = arith.constant 0 : i32
    %dma_wait3A_29 = arith.constant 0 : i32
    %dma_wait3A_30 = tpu.memref_slice %arg2[%dma_wait3A, %dma_wait3A_29] : memref<100000x128xi32, #tpu.memory_space<hbm>> -> memref<100000x128xi32, #tpu.memory_space<hbm>>
    tpu.wait_indirect_dma semaphore(%arg10 : memref<!tpu.dma_semaphore, #tpu.memory_space<semaphore_mem>>) src(%dma_wait3A_30 : memref<100000x128xi32, #tpu.memory_space<hbm>>) dst(%arg6 : memref<16x128xi32, #tpu.memory_space<vmem>>)
    %dma_wait3A_31 = arith.constant 0 : i32
    %dma_wait3A_32 = arith.constant 0 : i32
    %dma_wait3A_33 = tpu.memref_slice %arg3[%dma_wait3A_31, %dma_wait3A_32] : memref<100000x128xf32, #tpu.memory_space<hbm>> -> memref<100000x128xf32, #tpu.memory_space<hbm>>
    tpu.wait_indirect_dma semaphore(%arg10 : memref<!tpu.dma_semaphore, #tpu.memory_space<semaphore_mem>>) src(%dma_wait3A_33 : memref<100000x128xf32, #tpu.memory_space<hbm>>) dst(%arg7 : memref<16x128xf32, #tpu.memory_space<vmem>>)
    %parallel_loop3A_34 = arith.constant 0 : i32
    %parallel_loop3A_35 = arith.constant 16 : i32
    %parallel_loop3A_36 = arith.constant 1 : i32
    scf.for %parallel_loop3A_45 = %parallel_loop3A_34 to %parallel_loop3A_35 step %parallel_loop3A_36  : i32 {
      %parallel_loop3A_46 = arith.index_cast %parallel_loop3A_45 : i32 to index
      %parallel_loop3A_47 = arith.constant 0 : index
      %parallel_loop3A_48 = tpu.vector_load %arg6[%parallel_loop3A_46, %parallel_loop3A_47] {strides = array<i32>} : memref<16x128xi32, #tpu.memory_space<vmem>>, vector<16xi32>,
      %parallel_loop3A_49 = arith.index_cast %parallel_loop3A_45 : i32 to index
      %parallel_loop3A_50 = arith.constant 0 : index
      %parallel_loop3A_51 = tpu.vector_load %arg7[%parallel_loop3A_49, %parallel_loop3A_50] {strides = array<i32>} : memref<16x128xf32, #tpu.memory_space<vmem>>, vector<16xf32>,
      tpu.vector_store_idx %arg5[%parallel_loop3A_48], %parallel_loop3A_51 {add = true} : memref<100352xf32, #tpu.memory_space<vmem>>[vector<16xi32>], vector<16xf32>,
      %parallel_loop3A_52 = arith.index_cast %parallel_loop3A_45 : i32 to index
      %parallel_loop3A_53 = arith.constant 16 : index
      %parallel_loop3A_54 = tpu.vector_load %arg6[%parallel_loop3A_52, %parallel_loop3A_53] {strides = array<i32>} : memref<16x128xi32, #tpu.memory_space<vmem>>, vector<16xi32>,
      %parallel_loop3A_55 = arith.index_cast %parallel_loop3A_45 : i32 to index
      %parallel_loop3A_56 = arith.constant 16 : index
      %parallel_loop3A_57 = tpu.vector_load %arg7[%parallel_loop3A_55, %parallel_loop3A_56] {strides = array<i32>} : memref<16x128xf32, #tpu.memory_space<vmem>>, vector<16xf32>,
      tpu.vector_store_idx %arg5[%parallel_loop3A_54], %parallel_loop3A_57 {add = true} : memref<100352xf32, #tpu.memory_space<vmem>>[vector<16xi32>], vector<16xf32>,
      %parallel_loop3A_58 = arith.index_cast %parallel_loop3A_45 : i32 to index
      %parallel_loop3A_59 = arith.constant 32 : index
      %parallel_loop3A_60 = tpu.vector_load %arg6[%parallel_loop3A_58, %parallel_loop3A_59] {strides = array<i32>} : memref<16x128xi32, #tpu.memory_space<vmem>>, vector<16xi32>,
      %parallel_loop3A_61 = arith.index_cast %parallel_loop3A_45 : i32 to index
      %parallel_loop3A_62 = arith.constant 32 : index
      %parallel_loop3A_63 = tpu.vector_load %arg7[%parallel_loop3A_61, %parallel_loop3A_62] {strides = array<i32>} : memref<16x128xf32, #tpu.memory_space<vmem>>, vector<16xf32>,
      tpu.vector_store_idx %arg5[%parallel_loop3A_60], %parallel_loop3A_63 {add = true} : memref<100352xf32, #tpu.memory_space<vmem>>[vector<16xi32>], vector<16xf32>,
      %parallel_loop3A_64 = arith.index_cast %parallel_loop3A_45 : i32 to index
      %parallel_loop3A_65 = arith.constant 48 : index
      %parallel_loop3A_66 = tpu.vector_load %arg6[%parallel_loop3A_64, %parallel_loop3A_65] {strides = array<i32>} : memref<16x128xi32, #tpu.memory_space<vmem>>, vector<16xi32>,
      %parallel_loop3A_67 = arith.index_cast %parallel_loop3A_45 : i32 to index
      %parallel_loop3A_68 = arith.constant 48 : index
      %parallel_loop3A_69 = tpu.vector_load %arg7[%parallel_loop3A_67, %parallel_loop3A_68] {strides = array<i32>} : memref<16x128xf32, #tpu.memory_space<vmem>>, vector<16xf32>,
      tpu.vector_store_idx %arg5[%parallel_loop3A_66], %parallel_loop3A_69 {add = true} : memref<100352xf32, #tpu.memory_space<vmem>>[vector<16xi32>], vector<16xf32>,
      %parallel_loop3A_70 = arith.index_cast %parallel_loop3A_45 : i32 to index
      %parallel_loop3A_71 = arith.constant 64 : index
      %parallel_loop3A_72 = tpu.vector_load %arg6[%parallel_loop3A_70, %parallel_loop3A_71] {strides = array<i32>} : memref<16x128xi32, #tpu.memory_space<vmem>>, vector<16xi32>,
      %parallel_loop3A_73 = arith.index_cast %parallel_loop3A_45 : i32 to index
      %parallel_loop3A_74 = arith.constant 64 : index
      %parallel_loop3A_75 = tpu.vector_load %arg7[%parallel_loop3A_73, %parallel_loop3A_74] {strides = array<i32>} : memref<16x128xf32, #tpu.memory_space<vmem>>, vector<16xf32>,
      tpu.vector_store_idx %arg5[%parallel_loop3A_72], %parallel_loop3A_75 {add = true} : memref<100352xf32, #tpu.memory_space<vmem>>[vector<16xi32>], vector<16xf32>,
      %parallel_loop3A_76 = arith.index_cast %parallel_loop3A_45 : i32 to index
      %parallel_loop3A_77 = arith.constant 80 : index
      %parallel_loop3A_78 = tpu.vector_load %arg6[%parallel_loop3A_76, %parallel_loop3A_77] {strides = array<i32>} : memref<16x128xi32, #tpu.memory_space<vmem>>, vector<16xi32>,
      %parallel_loop3A_79 = arith.index_cast %parallel_loop3A_45 : i32 to index
      %parallel_loop3A_80 = arith.constant 80 : index
      %parallel_loop3A_81 = tpu.vector_load %arg7[%parallel_loop3A_79, %parallel_loop3A_80] {strides = array<i32>} : memref<16x128xf32, #tpu.memory_space<vmem>>, vector<16xf32>,
      tpu.vector_store_idx %arg5[%parallel_loop3A_78], %parallel_loop3A_81 {add = true} : memref<100352xf32, #tpu.memory_space<vmem>>[vector<16xi32>], vector<16xf32>,
      %parallel_loop3A_82 = arith.index_cast %parallel_loop3A_45 : i32 to index
      %parallel_loop3A_83 = arith.constant 96 : index
      %parallel_loop3A_84 = tpu.vector_load %arg6[%parallel_loop3A_82, %parallel_loop3A_83] {strides = array<i32>} : memref<16x128xi32, #tpu.memory_space<vmem>>, vector<16xi32>,
      %parallel_loop3A_85 = arith.index_cast %parallel_loop3A_45 : i32 to index
      %parallel_loop3A_86 = arith.constant 96 : index
      %parallel_loop3A_87 = tpu.vector_load %arg7[%parallel_loop3A_85, %parallel_loop3A_86] {strides = array<i32>} : memref<16x128xf32, #tpu.memory_space<vmem>>, vector<16xf32>,
      tpu.vector_store_idx %arg5[%parallel_loop3A_84], %parallel_loop3A_87 {add = true} : memref<100352xf32, #tpu.memory_space<vmem>>[vector<16xi32>], vector<16xf32>,
      %parallel_loop3A_88 = arith.index_cast %parallel_loop3A_45 : i32 to index
      %parallel_loop3A_89 = arith.constant 112 : index
      %parallel_loop3A_90 = tpu.vector_load %arg6[%parallel_loop3A_88, %parallel_loop3A_89] {strides = array<i32>} : memref<16x128xi32, #tpu.memory_space<vmem>>, vector<16xi32>,
      %parallel_loop3A_91 = arith.index_cast %parallel_loop3A_45 : i32 to index
      %parallel_loop3A_92 = arith.constant 112 : index
      %parallel_loop3A_93 = tpu.vector_load %arg7[%parallel_loop3A_91, %parallel_loop3A_92] {strides = array<i32>} : memref<16x128xf32, #tpu.memory_space<vmem>>, vector<16xf32>,
      tpu.vector_store_idx %arg5[%parallel_loop3A_90], %parallel_loop3A_93 {add = true} : memref<100352xf32, #tpu.memory_space<vmem>>[vector<16xi32>], vector<16xf32>,
    } {sc.loop_unroll_factor = 2 : i64, sc.parallel_access}
    %lt3A_37 = arith.constant 5 : i32
    %lt3A_38 = arith.cmpi slt, %arg1, %lt3A_37 : i32
    %convert_element_type3A_39 = arith.extui %lt3A_38 : i1 to i32
    %cond3A_40 = arith.constant 0 : i32
    %cond3A_41 = arith.cmpi ne, %convert_element_type3A_39, %cond3A_40 : i32
    scf.if %cond3A_41 {
      %dma_wait3A_45 = arith.constant 0 : i32
      %dma_wait3A_46 = arith.constant 0 : i32
      %dma_wait3A_47 = tpu.memref_slice %arg2[%dma_wait3A_45, %dma_wait3A_46] : memref<100000x128xi32, #tpu.memory_space<hbm>> -> memref<100000x128xi32, #tpu.memory_space<hbm>>
      tpu.wait_indirect_dma semaphore(%arg11 : memref<!tpu.dma_semaphore, #tpu.memory_space<semaphore_mem>>) src(%dma_wait3A_47 : memref<100000x128xi32, #tpu.memory_space<hbm>>) dst(%arg8 : memref<16x128xi32, #tpu.memory_space<vmem>>)
      %dma_wait3A_48 = arith.constant 0 : i32
      %dma_wait3A_49 = arith.constant 0 : i32
      %dma_wait3A_50 = tpu.memref_slice %arg3[%dma_wait3A_48, %dma_wait3A_49] : memref<100000x128xf32, #tpu.memory_space<hbm>> -> memref<100000x128xf32, #tpu.memory_space<hbm>>
      tpu.wait_indirect_dma semaphore(%arg11 : memref<!tpu.dma_semaphore, #tpu.memory_space<semaphore_mem>>) src(%dma_wait3A_50 : memref<100000x128xf32, #tpu.memory_space<hbm>>) dst(%arg9 : memref<16x128xf32, #tpu.memory_space<vmem>>)
      %parallel_loop3A_51 = arith.constant 0 : i32
      %parallel_loop3A_52 = arith.constant 16 : i32
      %parallel_loop3A_53 = arith.constant 1 : i32
      scf.for %parallel_loop3A_54 = %parallel_loop3A_51 to %parallel_loop3A_52 step %parallel_loop3A_53  : i32 {
        %parallel_loop3A_55 = arith.index_cast %parallel_loop3A_54 : i32 to index
        %parallel_loop3A_56 = arith.constant 0 : index
        %parallel_loop3A_57 = tpu.vector_load %arg8[%parallel_loop3A_55, %parallel_loop3A_56] {strides = array<i32>} : memref<16x128xi32, #tpu.memory_space<vmem>>, vector<16xi32>,
        %parallel_loop3A_58 = arith.index_cast %parallel_loop3A_54 : i32 to index
        %parallel_loop3A_59 = arith.constant 0 : index
        %parallel_loop3A_60 = tpu.vector_load %arg9[%parallel_loop3A_58, %parallel_loop3A_59] {strides = array<i32>} : memref<16x128xf32, #tpu.memory_space<vmem>>, vector<16xf32>,
        tpu.vector_store_idx %arg5[%parallel_loop3A_57], %parallel_loop3A_60 {add = true} : memref<100352xf32, #tpu.memory_space<vmem>>[vector<16xi32>], vector<16xf32>,
        %parallel_loop3A_61 = arith.index_cast %parallel_loop3A_54 : i32 to index
        %parallel_loop3A_62 = arith.constant 16 : index
        %parallel_loop3A_63 = tpu.vector_load %arg8[%parallel_loop3A_61, %parallel_loop3A_62] {strides = array<i32>} : memref<16x128xi32, #tpu.memory_space<vmem>>, vector<16xi32>,
        %parallel_loop3A_64 = arith.index_cast %parallel_loop3A_54 : i32 to index
        %parallel_loop3A_65 = arith.constant 16 : index
        %parallel_loop3A_66 = tpu.vector_load %arg9[%parallel_loop3A_64, %parallel_loop3A_65] {strides = array<i32>} : memref<16x128xf32, #tpu.memory_space<vmem>>, vector<16xf32>,
        tpu.vector_store_idx %arg5[%parallel_loop3A_63], %parallel_loop3A_66 {add = true} : memref<100352xf32, #tpu.memory_space<vmem>>[vector<16xi32>], vector<16xf32>,
        %parallel_loop3A_67 = arith.index_cast %parallel_loop3A_54 : i32 to index
        %parallel_loop3A_68 = arith.constant 32 : index
        %parallel_loop3A_69 = tpu.vector_load %arg8[%parallel_loop3A_67, %parallel_loop3A_68] {strides = array<i32>} : memref<16x128xi32, #tpu.memory_space<vmem>>, vector<16xi32>,
        %parallel_loop3A_70 = arith.index_cast %parallel_loop3A_54 : i32 to index
        %parallel_loop3A_71 = arith.constant 32 : index
        %parallel_loop3A_72 = tpu.vector_load %arg9[%parallel_loop3A_70, %parallel_loop3A_71] {strides = array<i32>} : memref<16x128xf32, #tpu.memory_space<vmem>>, vector<16xf32>,
        tpu.vector_store_idx %arg5[%parallel_loop3A_69], %parallel_loop3A_72 {add = true} : memref<100352xf32, #tpu.memory_space<vmem>>[vector<16xi32>], vector<16xf32>,
        %parallel_loop3A_73 = arith.index_cast %parallel_loop3A_54 : i32 to index
        %parallel_loop3A_74 = arith.constant 48 : index
        %parallel_loop3A_75 = tpu.vector_load %arg8[%parallel_loop3A_73, %parallel_loop3A_74] {strides = array<i32>} : memref<16x128xi32, #tpu.memory_space<vmem>>, vector<16xi32>,
        %parallel_loop3A_76 = arith.index_cast %parallel_loop3A_54 : i32 to index
        %parallel_loop3A_77 = arith.constant 48 : index
        %parallel_loop3A_78 = tpu.vector_load %arg9[%parallel_loop3A_76, %parallel_loop3A_77] {strides = array<i32>} : memref<16x128xf32, #tpu.memory_space<vmem>>, vector<16xf32>,
        tpu.vector_store_idx %arg5[%parallel_loop3A_75], %parallel_loop3A_78 {add = true} : memref<100352xf32, #tpu.memory_space<vmem>>[vector<16xi32>], vector<16xf32>,
        %parallel_loop3A_79 = arith.index_cast %parallel_loop3A_54 : i32 to index
        %parallel_loop3A_80 = arith.constant 64 : index
        %parallel_loop3A_81 = tpu.vector_load %arg8[%parallel_loop3A_79, %parallel_loop3A_80] {strides = array<i32>} : memref<16x128xi32, #tpu.memory_space<vmem>>, vector<16xi32>,
        %parallel_loop3A_82 = arith.index_cast %parallel_loop3A_54 : i32 to index
        %parallel_loop3A_83 = arith.constant 64 : index
        %parallel_loop3A_84 = tpu.vector_load %arg9[%parallel_loop3A_82, %parallel_loop3A_83] {strides = array<i32>} : memref<16x128xf32, #tpu.memory_space<vmem>>, vector<16xf32>,
        tpu.vector_store_idx %arg5[%parallel_loop3A_81], %parallel_loop3A_84 {add = true} : memref<100352xf32, #tpu.memory_space<vmem>>[vector<16xi32>], vector<16xf32>,
        %parallel_loop3A_85 = arith.index_cast %parallel_loop3A_54 : i32 to index
        %parallel_loop3A_86 = arith.constant 80 : index
        %parallel_loop3A_87 = tpu.vector_load %arg8[%parallel_loop3A_85, %parallel_loop3A_86] {strides = array<i32>} : memref<16x128xi32, #tpu.memory_space<vmem>>, vector<16xi32>,
        %parallel_loop3A_88 = arith.index_cast %parallel_loop3A_54 : i32 to index
        %parallel_loop3A_89 = arith.constant 80 : index
        %parallel_loop3A_90 = tpu.vector_load %arg9[%parallel_loop3A_88, %parallel_loop3A_89] {strides = array<i32>} : memref<16x128xf32, #tpu.memory_space<vmem>>, vector<16xf32>,
        tpu.vector_store_idx %arg5[%parallel_loop3A_87], %parallel_loop3A_90 {add = true} : memref<100352xf32, #tpu.memory_space<vmem>>[vector<16xi32>], vector<16xf32>,
        %parallel_loop3A_91 = arith.index_cast %parallel_loop3A_54 : i32 to index
        %parallel_loop3A_92 = arith.constant 96 : index
        %parallel_loop3A_93 = tpu.vector_load %arg8[%parallel_loop3A_91, %parallel_loop3A_92] {strides = array<i32>} : memref<16x128xi32, #tpu.memory_space<vmem>>, vector<16xi32>,
        %parallel_loop3A_94 = arith.index_cast %parallel_loop3A_54 : i32 to index
        %parallel_loop3A_95 = arith.constant 96 : index
        %parallel_loop3A_96 = tpu.vector_load %arg9[%parallel_loop3A_94, %parallel_loop3A_95] {strides = array<i32>} : memref<16x128xf32, #tpu.memory_space<vmem>>, vector<16xf32>,
        tpu.vector_store_idx %arg5[%parallel_loop3A_93], %parallel_loop3A_96 {add = true} : memref<100352xf32, #tpu.memory_space<vmem>>[vector<16xi32>], vector<16xf32>,
        %parallel_loop3A_97 = arith.index_cast %parallel_loop3A_54 : i32 to index
        %parallel_loop3A_98 = arith.constant 112 : index
        %parallel_loop3A_99 = tpu.vector_load %arg8[%parallel_loop3A_97, %parallel_loop3A_98] {strides = array<i32>} : memref<16x128xi32, #tpu.memory_space<vmem>>, vector<16xi32>,
        %parallel_loop3A_100 = arith.index_cast %parallel_loop3A_54 : i32 to index
        %parallel_loop3A_101 = arith.constant 112 : index
        %parallel_loop3A_102 = tpu.vector_load %arg9[%parallel_loop3A_100, %parallel_loop3A_101] {strides = array<i32>} : memref<16x128xf32, #tpu.memory_space<vmem>>, vector<16xf32>,
        tpu.vector_store_idx %arg5[%parallel_loop3A_99], %parallel_loop3A_102 {add = true} : memref<100352xf32, #tpu.memory_space<vmem>>[vector<16xi32>], vector<16xf32>,
      } {sc.loop_unroll_factor = 2 : i64, sc.parallel_access}
    } else {
    }
    %mul3A_42 = arith.constant 16 : i32
    %mul3A_43 = arith.muli %arg0, %mul3A_42 : i32
    %add3A_44 = arith.addi %mul3A_43, %arg1 : i32
    "tpu.region"() ({
      %run_scoped3A = tpu.sem_alloc : memref<!tpu.dma_semaphore, #tpu.memory_space<semaphore_mem>>
      %dma_start3A_45 = arith.constant 0 : i32
      %dma_start3A_46 = tpu.memref_slice %arg4[%add3A_44, %dma_start3A_45] : memref<32x100352xf32, #tpu.memory_space<hbm>> -> memref<1x100352xf32, #tpu.memory_space<hbm>>
      %dma_start3A_47 = tpu.memref_squeeze %dma_start3A_46 : memref<1x100352xf32, #tpu.memory_space<hbm>> -> memref<100352xf32, #tpu.memory_space<hbm>>
      %dma_start3A_48 = arith.constant 0 : i32
      %dma_start3A_49 = tpu.memref_slice %arg4[%add3A_44, %dma_start3A_48] : memref<32x100352xf32, #tpu.memory_space<hbm>> -> memref<1x100352xf32, #tpu.memory_space<hbm>>
      %dma_start3A_50 = tpu.memref_squeeze %dma_start3A_49 : memref<1x100352xf32, #tpu.memory_space<hbm>> -> memref<100352xf32, #tpu.memory_space<hbm>>
      tpu.enqueue_dma source(%arg5 : memref<100352xf32, #tpu.memory_space<vmem>>) target(%dma_start3A_50 : memref<100352xf32, #tpu.memory_space<hbm>>) target_semaphore(%run_scoped3A : memref<!tpu.dma_semaphore, #tpu.memory_space<semaphore_mem>>)
      %dma_wait3A_51 = arith.constant 0 : i32
      %dma_wait3A_52 = tpu.memref_slice %arg4[%add3A_44, %dma_wait3A_51] : memref<32x100352xf32, #tpu.memory_space<hbm>> -> memref<1x100352xf32, #tpu.memory_space<hbm>>
      %dma_wait3A_53 = tpu.memref_squeeze %dma_wait3A_52 : memref<1x100352xf32, #tpu.memory_space<hbm>> -> memref<100352xf32, #tpu.memory_space<hbm>>
      %dma_wait3A_54 = arith.constant 0 : i32
      %dma_wait3A_55 = tpu.memref_slice %arg4[%add3A_44, %dma_wait3A_54] : memref<32x100352xf32, #tpu.memory_space<hbm>> -> memref<1x100352xf32, #tpu.memory_space<hbm>>
      %dma_wait3A_56 = tpu.memref_squeeze %dma_wait3A_55 : memref<1x100352xf32, #tpu.memory_space<hbm>> -> memref<100352xf32, #tpu.memory_space<hbm>>
      tpu.wait_dma2 semaphore(%run_scoped3A : memref<!tpu.dma_semaphore, #tpu.memory_space<semaphore_mem>>) src(%arg5 : memref<100352xf32, #tpu.memory_space<vmem>>) dst(%dma_wait3A_56 : memref<100352xf32, #tpu.memory_space<hbm>>)
      tpu.yield
    }) : () -> ()
    return
  }
}

module attributes {stable_mosaic.version = 14 : i64} {
  func.func @_mlp_body(%arg0: i32, %arg1: memref<3x12544xf32, #tpu.memory_space<vmem>>, %arg2: memref<32x12544xf32, #tpu.memory_space<vmem>>, %arg3: memref<3x50xf32, #tpu.memory_space<vmem>>, %arg4: memref<32x50xf32, #tpu.memory_space<vmem>>, %arg5: memref<1x50xf32, #tpu.memory_space<vmem>>, %arg6: memref<50x20xf32, #tpu.memory_space<vmem>>, %arg7: memref<1x20xf32, #tpu.memory_space<vmem>>, %arg8: memref<1x20xf32, #tpu.memory_space<vmem>>, %arg9: memref<1x1xf32, #tpu.memory_space<vmem>>, %arg10: memref<1x12544xf32, #tpu.memory_space<vmem>>) attributes {dimension_semantics = [#tpu.dimension_semantics<arbitrary>], iteration_bounds = array<i64: 8>, scalar_prefetch = 0 : i64, scratch_operands = 0 : i64, tpu.core_type = #tpu.core_type<tc>, window_params = [{transform_indices = @transform_0, window_bounds = array<i64: 3, 12544>}, {transform_indices = @transform_1, window_bounds = array<i64: 32, 12544>}, {pipeline_mode = #tpu.pipeline_mode<synchronous>, transform_indices = @transform_2, window_bounds = array<i64: 3, 50>}, {pipeline_mode = #tpu.pipeline_mode<synchronous>, transform_indices = @transform_3, window_bounds = array<i64: 32, 50>}, {pipeline_mode = #tpu.pipeline_mode<synchronous>, transform_indices = @transform_4, window_bounds = array<i64: 1, 50>}, {pipeline_mode = #tpu.pipeline_mode<synchronous>, transform_indices = @transform_5, window_bounds = array<i64: 50, 20>}, {pipeline_mode = #tpu.pipeline_mode<synchronous>, transform_indices = @transform_6, window_bounds = array<i64: 1, 20>}, {pipeline_mode = #tpu.pipeline_mode<synchronous>, transform_indices = @transform_7, window_bounds = array<i64: 1, 20>}, {pipeline_mode = #tpu.pipeline_mode<synchronous>, transform_indices = @transform_8, window_bounds = array<i64: 1, 1>}, {transform_indices = @transform_9, window_bounds = array<i64: 1, 12544>}]} {
    %get3A = arith.constant 0 : index
    %get3A_0 = arith.constant 0 : index
    %get3A_1 = vector.load %arg1[%get3A, %get3A_0] : memref<3x12544xf32, #tpu.memory_space<vmem>>, vector<3x12544xf32>
    %get3A_2 = arith.constant 0 : index
    %get3A_3 = arith.constant 0 : index
    %get3A_4 = vector.load %arg2[%get3A_2, %get3A_3] : memref<32x12544xf32, #tpu.memory_space<vmem>>, vector<32x12544xf32>
    %get3A_5 = arith.constant 0 : index
    %get3A_6 = arith.constant 0 : index
    %get3A_7 = vector.load %arg3[%get3A_5, %get3A_6] : memref<3x50xf32, #tpu.memory_space<vmem>>, vector<3x50xf32>
    %dot_general3A = arith.constant dense<0.000000e+00> : vector<12544x50xf32>
    %dot_general3A_8 = tpu.matmul %get3A_1, %get3A_7, %dot_general3A {dimension_numbers = #tpu.dot_dimension_numbers<[0], [0], [1], [1], [0, 1, 1, 1], [], []>, transpose_lhs_hint = false} : vector<3x12544xf32>, vector<3x50xf32>, vector<12544x50xf32> -> vector<12544x50xf32>
    %get3A_9 = arith.constant 0 : index
    %get3A_10 = arith.constant 0 : index
    %get3A_11 = vector.load %arg4[%get3A_9, %get3A_10] : memref<32x50xf32, #tpu.memory_space<vmem>>, vector<32x50xf32>
    %dot_general3A_12 = arith.constant dense<0.000000e+00> : vector<12544x50xf32>
    %dot_general3A_13 = tpu.matmul %get3A_4, %get3A_11, %dot_general3A_12 {dimension_numbers = #tpu.dot_dimension_numbers<[0], [0], [1], [1], [0, 1, 1, 1], [], []>, transpose_lhs_hint = false} : vector<32x12544xf32>, vector<32x50xf32>, vector<12544x50xf32> -> vector<12544x50xf32>
    %add3A = arith.addf %dot_general3A_8, %dot_general3A_13 : vector<12544x50xf32>
    %get3A_14 = arith.constant 0 : index
    %get3A_15 = arith.constant 0 : index
    %get3A_16 = vector.load %arg5[%get3A_14, %get3A_15] : memref<1x50xf32, #tpu.memory_space<vmem>>, vector<1x50xf32>
    %add3A_17 = vector.broadcast %get3A_16 : vector<1x50xf32> to vector<12544x50xf32>
    %add3A_18 = arith.addf %add3A, %add3A_17 : vector<12544x50xf32>
    %max3A = arith.constant 0.000000e+00 : f32
    %max3A_19 = vector.broadcast %max3A : f32 to vector<12544x50xf32>
    %max3A_20 = arith.maximumf %add3A_18, %max3A_19 : vector<12544x50xf32>
    %get3A_21 = arith.constant 0 : index
    %get3A_22 = arith.constant 0 : index
    %get3A_23 = vector.load %arg6[%get3A_21, %get3A_22] : memref<50x20xf32, #tpu.memory_space<vmem>>, vector<50x20xf32>
    %dot_general3A_24 = arith.constant dense<0.000000e+00> : vector<12544x20xf32>
    %dot_general3A_25 = tpu.matmul %max3A_20, %get3A_23, %dot_general3A_24 {dimension_numbers = #tpu.dot_dimension_numbers<[1], [0], [0], [1], [0, 0, 1, 1], [], []>, transpose_lhs_hint = false} : vector<12544x50xf32>, vector<50x20xf32>, vector<12544x20xf32> -> vector<12544x20xf32>
    %get3A_26 = arith.constant 0 : index
    %get3A_27 = arith.constant 0 : index
    %get3A_28 = vector.load %arg7[%get3A_26, %get3A_27] : memref<1x20xf32, #tpu.memory_space<vmem>>, vector<1x20xf32>
    %add3A_29 = vector.broadcast %get3A_28 : vector<1x20xf32> to vector<12544x20xf32>
    %add3A_30 = arith.addf %dot_general3A_25, %add3A_29 : vector<12544x20xf32>
    %max3A_31 = arith.constant 0.000000e+00 : f32
    %max3A_32 = vector.broadcast %max3A_31 : f32 to vector<12544x20xf32>
    %max3A_33 = arith.maximumf %add3A_30, %max3A_32 : vector<12544x20xf32>
    %get3A_34 = arith.constant 0 : index
    %get3A_35 = arith.constant 0 : index
    %get3A_36 = vector.load %arg8[%get3A_34, %get3A_35] : memref<1x20xf32, #tpu.memory_space<vmem>>, vector<1x20xf32>
    %dot_general3A_37 = arith.constant dense<0.000000e+00> : vector<1x12544xf32>
    %dot_general3A_38 = tpu.matmul %get3A_36, %max3A_33, %dot_general3A_37 {dimension_numbers = #tpu.dot_dimension_numbers<[1], [1], [0], [0], [0, 0, 1, 0], [], []>, transpose_lhs_hint = false} : vector<1x20xf32>, vector<12544x20xf32>, vector<1x12544xf32> -> vector<1x12544xf32>
    %get3A_39 = arith.constant 0 : index
    %get3A_40 = arith.constant 0 : index
    %get3A_41 = vector.load %arg9[%get3A_39, %get3A_40] : memref<1x1xf32, #tpu.memory_space<vmem>>, vector<1x1xf32>
    %add3A_42 = vector.broadcast %get3A_41 : vector<1x1xf32> to vector<1x12544xf32>
    %add3A_43 = arith.addf %dot_general3A_38, %add3A_42 : vector<1x12544xf32>
    %swap3A = arith.constant 0 : index
    %swap3A_44 = arith.constant 0 : index
    %swap3A_45 = vector.load %arg10[%swap3A, %swap3A_44] : memref<1x12544xf32, #tpu.memory_space<vmem>>, vector<1x12544xf32>
    tpu.vector_store %arg10[%swap3A, %swap3A_44], %add3A_43 {strides = array<i32>} : memref<1x12544xf32, #tpu.memory_space<vmem>>, vector<1x12544xf32>,
    return
  }
  func.func @transform_0(%arg0: i32) -> (i32, i32) {
    %c0_i32 = arith.constant 0 : i32
    %c0_i32_0 = arith.constant 0 : i32
    return %c0_i32, %arg0 : i32, i32
  }
  func.func @transform_1(%arg0: i32) -> (i32, i32) {
    %c0_i32 = arith.constant 0 : i32
    %c0_i32_0 = arith.constant 0 : i32
    return %c0_i32, %arg0 : i32, i32
  }
  func.func @transform_2(%arg0: i32) -> (i32, i32) {
    %c0_i32 = arith.constant 0 : i32
    %c0_i32_0 = arith.constant 0 : i32
    %c0_i32_1 = arith.constant 0 : i32
    return %c0_i32, %c0_i32_0 : i32, i32
  }
  func.func @transform_3(%arg0: i32) -> (i32, i32) {
    %c0_i32 = arith.constant 0 : i32
    %c0_i32_0 = arith.constant 0 : i32
    %c0_i32_1 = arith.constant 0 : i32
    return %c0_i32, %c0_i32_0 : i32, i32
  }
  func.func @transform_4(%arg0: i32) -> (i32, i32) {
    %c0_i32 = arith.constant 0 : i32
    %c0_i32_0 = arith.constant 0 : i32
    %c0_i32_1 = arith.constant 0 : i32
    return %c0_i32, %c0_i32_0 : i32, i32
  }
  func.func @transform_5(%arg0: i32) -> (i32, i32) {
    %c0_i32 = arith.constant 0 : i32
    %c0_i32_0 = arith.constant 0 : i32
    %c0_i32_1 = arith.constant 0 : i32
    return %c0_i32, %c0_i32_0 : i32, i32
  }
  func.func @transform_6(%arg0: i32) -> (i32, i32) {
    %c0_i32 = arith.constant 0 : i32
    %c0_i32_0 = arith.constant 0 : i32
    %c0_i32_1 = arith.constant 0 : i32
    return %c0_i32, %c0_i32_0 : i32, i32
  }
  func.func @transform_7(%arg0: i32) -> (i32, i32) {
    %c0_i32 = arith.constant 0 : i32
    %c0_i32_0 = arith.constant 0 : i32
    %c0_i32_1 = arith.constant 0 : i32
    return %c0_i32, %c0_i32_0 : i32, i32
  }
  func.func @transform_8(%arg0: i32) -> (i32, i32) {
    %c0_i32 = arith.constant 0 : i32
    %c0_i32_0 = arith.constant 0 : i32
    %c0_i32_1 = arith.constant 0 : i32
    return %c0_i32, %c0_i32_0 : i32, i32
  }
  func.func @transform_9(%arg0: i32) -> (i32, i32) {
    %c0_i32 = arith.constant 0 : i32
    %c0_i32_0 = arith.constant 0 : i32
    return %c0_i32, %arg0 : i32, i32
  }
}

</mosaic_0001>

<sc_bundles>
// kernel: kernel.4.cloned.1.call-start
scs
__scs_entry_jumppad:
0x0: {  	(pc) =	sbr.rel $0x88, $3  }
0x1: {  	(tag) =	ssettag $0x0;
	lr =	simm.s32 $0x1  }
0x2: {  	[smem:$0x3F98] =	sst lr;
	_ =	strace $0xD0000000  }
0x3: {  	_ = 	snop  }
0x4: {  	_ = 	snop  }
0x5: {  	_ = 	snop  }
0x6: {  	_ = 	snop  }
0x7: {  	_ = 	snop  }
__scs_overlays_trampoline_lowered:
0x8: {  	[smem:$0x3FA7] =	sst s0  }
0x9: {  	[smem:$0x3FA8] =	sst s1  }
0xa: {  	[smem:$0x3FA9] =	sst s2  }
0xb: {  	[smem:$0x3FAA] =	sst s3  }
0xc: {  	[smem:$0x3FAB] =	sst s4  }
0xd: {  	[smem:$0x3FAC] =	sst s5  }
0xe: {  	[smem:$0x3FAD] =	sst s6  }
0xf: {  	[smem:$0x3FAE] =	sst s7  }
0x10: {  	[smem:$0x3FAF] =	sst s8  }
0x11: {  	[smem:$0x3FB0] =	sst s9;
	s0 =	simm.s32 @!p0 $0x0  }
0x12: {  	s1 =	sld [smem:$0x3F96];
	s0 =	simm.s32 @p0 $0x1  }
0x13: {  	[smem:$0x3FB1] =	sst s0;
	s0 =	simm.s32 @!p1 $0x0  }
0x14: {  	s2 =	sld [smem:$0x3F95];
	s0 =	simm.s32 @p1 $0x1  }
0x15: {  	[smem:$0x3FB2] =	sst s0;
	s0 =	simm.s32 @!p2 $0x0  }
0x16: {  	s3 =	sld [smem:$0x3FDB];
	s0 =	simm.s32 @p2 $0x1  }
0x17: {  	s4 =	simm.s32 $0x1BF5;
	[smem:$0x3FB4] =	sst s0  }
0x18: {  	s0 =	sld [smem:$0x3F97];
	_ =	swait.ge [sflag:s4], $0x0  }
0x19: {  	s7 =	sld [smem:$0x3F98]  }
0x1a: {  	s8 =	sadd.s32 $0xFFFFE003, lr  }
0x1b: {  	s9 =	sadd.s32 $0xFFFFFEF7, lr;
	s5 =	simm.s32 $0xFFFFFFFF;
	p2 =	slt.u32 s8, $0xFFFFF086  }
0x1c: {  	p1 =	slt.u32 s9, $0xF7A;
	s5 =	simm.s32 @!p2 $0x0  }
0x1d: {  	s5 =	simm.s32 @p1 $0x1;
	p0 =	seq.s32 s7, s2  }
0x1e: {  	s7 =	smul.u32 @!p0 $0xF7A, s2;
	p2 =	seq.s32 @!p0 s5, $0x0  }
0x1f: {  	s9 =	smul.u32 $0xF7A, s1;
	s8 =	simm.s32 @!p0 $0x1BF5;
	p2 =	por !p2, p0  }
0x20: {  	[sflag:s8] =	ssyncset.s32 @!p0 $0xFFFFF086;
	s6 =	sadd.s32 @!p0 s3, s7;
	s7 =	simm.s32 @!p0 $0x108  }
0x21: {  	s3 =	sadd.s32 s3, s9;
	s6 =	sadd.s32 @!p0 $0x88, s6;
	s7 =	simm.s32 @p2 $0x1082  }
0x22: {  	[simem:s7], [sflag:s8] =	dma.local @!p0 [hbm:s6], $0xF7A  }
0x23: {  	s9 =	sor.u32 $0xD0000000, s2;
	s6 =	simm.s32 $0x108;
	_ =	swait.ge @!p0 [sflag:s8], $0x0  }
0x24: {  	s3 =	sadd.s32 $0x88, s3;
	s6 =	simm.s32 @!p1 $0x1082;
	[sflag:s4] =	ssyncset.s32 $0xFFFFF086  }
0x25: {  	[simem:s6], [sflag:s4] =	dma.local [hbm:s3], $0xF7A  }
0x26: {  	[smem:$0x3F98] =	sst s1;
	(tag) =	ssettag s2;
	_ =	strace s9  }
0x27: {  	s1 =	sld [smem:$0x3FA8]  }
0x28: {  	s2 =	sld [smem:$0x3FA9]  }
0x29: {  	s4 =	sld [smem:$0x3FAB]  }
0x2a: {  	p0 =	seq.s32 s5, $0x0;
	s5 =	sld [smem:$0x3FAC]  }
0x2b: {  	s6 =	sld [smem:$0x3FAD]  }
0x2c: {  	s7 =	sld [smem:$0x3FAE]  }
0x2d: {  	s3 =	simm.s32 $0x108;
	s8 =	sld [smem:$0x3FAF]  }
0x2e: {  	s3 =	simm.s32 @!p0 $0x1082;
	s9 =	sld [smem:$0x3FB0]  }
0x2f: {  	lr =	sadd.s32 s0, s3;
	s0 =	sld [smem:$0x3FA7]  }
0x30: {  	s3 =	sld [smem:$0x3FAA]  }
0x31: {  	[smem:$0x3FB3] =	sst s10  }
0x32: {  	s10 =	sld [smem:$0x3FB1];
	_ =	sdelay $0x3  }
0x33: {  	p0 =	seq.s32 s10, $0x1;
	s10 =	sld [smem:$0x3FB3];
	_ =	sdelay $0x3  }
0x34: {  	[smem:$0x3FB3] =	sst s10  }
0x35: {  	s10 =	sld [smem:$0x3FB2];
	_ =	sdelay $0x3  }
0x36: {  	p1 =	seq.s32 s10, $0x1;
	s10 =	sld [smem:$0x3FB3];
	_ =	sdelay $0x3  }
0x37: {  	[smem:$0x3FB3] =	sst s10  }
0x38: {  	s10 =	sld [smem:$0x3FB4]  }
0x39: {  	_ = 	snop;
	(pc) =	sbr.ind lr, $3  }
0x3a: {  	_ = 	snop  }
0x3b: {  	_ = 	snop  }
0x3c: {  	p2 =	seq.s32 s10, $0x1;
	s10 =	sld [smem:$0x3FB3]  }
0x3d: {  	_ =	shalt  }
0x3e: {  	_ =	shalt  }
0x3f: {  	_ =	shalt  }
0x40: {  	_ =	shalt  }
0x41: {  	_ =	shalt  }
0x42: {  	_ =	shalt  }
0x43: {  	_ =	shalt  }
0x44: {  	_ =	shalt  }
0x45: {  	_ =	shalt  }
0x46: {  	_ =	shalt  }
0x47: {  	_ =	shalt  }
0x48: {  	_ =	shalt  }
0x49: {  	_ =	shalt  }
0x4a: {  	_ =	shalt  }
0x4b: {  	_ =	shalt  }
0x4c: {  	_ =	shalt  }
0x4d: {  	_ =	shalt  }
0x4e: {  	_ =	shalt  }
0x4f: {  	_ =	shalt  }
0x50: {  	_ =	shalt  }
0x51: {  	_ =	shalt  }
0x52: {  	_ =	shalt  }
0x53: {  	_ =	shalt  }
0x54: {  	_ =	shalt  }
0x55: {  	_ =	shalt  }
0x56: {  	_ =	shalt  }
0x57: {  	_ =	shalt  }
0x58: {  	_ =	shalt  }
0x59: {  	_ =	shalt  }
0x5a: {  	_ =	shalt  }
0x5b: {  	_ =	shalt  }
0x5c: {  	_ =	shalt  }
0x5d: {  	_ =	shalt  }
0x5e: {  	_ =	shalt  }
0x5f: {  	_ =	shalt  }
0x60: {  	_ =	shalt  }
0x61: {  	_ =	shalt  }
0x62: {  	_ =	shalt  }
0x63: {  	_ =	shalt  }
0x64: {  	_ =	shalt  }
0x65: {  	_ =	shalt  }
0x66: {  	_ =	shalt  }
0x67: {  	_ =	shalt  }
0x68: {  	_ =	shalt  }
0x69: {  	_ =	shalt  }
0x6a: {  	_ =	shalt  }
0x6b: {  	_ =	shalt  }
0x6c: {  	_ =	shalt  }
0x6d: {  	_ =	shalt  }
0x6e: {  	_ =	shalt  }
0x6f: {  	_ =	shalt  }
0x70: {  	_ =	shalt  }
0x71: {  	_ =	shalt  }
0x72: {  	_ =	shalt  }
0x73: {  	_ =	shalt  }
0x74: {  	_ =	shalt  }
0x75: {  	_ =	shalt  }
0x76: {  	_ =	shalt  }
0x77: {  	_ =	shalt  }
0x78: {  	_ =	shalt  }
0x79: {  	_ =	shalt  }
0x7a: {  	_ =	shalt  }
0x7b: {  	_ =	shalt  }
0x7c: {  	_ =	shalt  }
0x7d: {  	_ =	shalt  }
0x7e: {  	_ =	shalt  }
0x7f: {  	_ =	shalt  }
0x80: {  	_ =	shalt  }
0x81: {  	_ =	shalt  }
0x82: {  	_ =	shalt  }
0x83: {  	_ =	shalt  }
0x84: {  	_ =	shalt  }
0x85: {  	_ =	shalt  }
0x86: {  	_ =	shalt  }
0x87: {  	_ =	shalt  }
.Lfunc_end0:
.L_simem_size_0:
called_computation_lowered:
.L_overlay_start_0:
0x88: {  	s2 =	sld [smem:$0x3FD9]  }
0x89: {  	s3 =	sld [smem:$0x3FFE];
	_ =	sdelay $0x1  }
0x8a: {  	s1 =	srdreg.scid  }
0x8b: {  	s0 =	sand.u32 $0x1, s1  }
0x8c: {  	s17 =	sshll.u32 s0, $0xA;
	s2 =	sadd.s32 s3, s2  }
0x8d: {  	s2 =	sadd.s32 s2, s17  }
0x8e: {  	[smem:$0x3FBF] =	sst s2  }
0x8f: {  	_ = 	snop  }
0x90: {  	s2 =	sld [smem:$0x3FC8]  }
0x91: {  	s18 =	sld [smem:$0x3FC7];
	(tm) =	ssettm $0x1  }
0x92: {  	s4 =	sld [smem:$0x3FFB];
	_ =	sdelay $0x3  }
0x93: {  	_ =	strace s4  }
0x94: {  	s4 =	sld [smem:$0x3FFC];
	_ =	sdelay $0x3  }
0x95: {  	_ =	strace s4  }
0x96: {  	s4 =	sld [smem:$0x3FFD];
	_ =	sdelay $0x3  }
0x97: {  	_ =	strace s4  }
0x98: {  	_ =	strace $0x8FFFFFFF  }
0x99: {  	s19 =	sld [smem:$0x3FDB];
	_ =	sdelay $0x1  }
0x9a: {  	s5 =	simm.s32 $_scs_section_size  }
0x9b: {  	s6 =	simm.s32 $_size__tile_overlayer_lowered;
	s7 =	simm.s32 $_tile_overlayer_lowered  }
0x9c: {  	s22 =	simm.s32 $0x1BFF;
	s21 =	sshll.u32 s7, $0x1;
	s4 =	sadd.s32 s5, s19  }
0x9d: {  	s8 =	simm.s32 $0x0;
	s20 =	sshll.u32 s6, $0x1;
	s6 =	sadd.s32 s21, s4  }
0x9e: {  	[timem:s8], [sflag:s22] =	dma.local [hbm:s6], s20  }
0x9f: {  	_ =	swait.ge [sflag:s22], s20  }
0xa0: {  	s5 =	ssub.s32 $0x0, s20;
	[sflag:s22] =	ssyncset.done $0x0  }
0xa1: {  	[sflag:s22] =	ssyncadd.s32 s5;
	_ =	sdelay $0x1  }
0xa2: {  	s23 =	simm.s32 $0x1B8B  }
0xa3: {  	_ =	swait.ge [sflag:s23], $0x1  }
0xa4: {  	[sflag:s23] =	ssyncset.done $0x0  }
0xa5: {  	s25 =	simm.s32 $0x1B8E;
	s24 =	sld [smem:$0x3FFE];
	[sflag:s23] =	ssyncadd.s32 $0xFFFFFFFF  }
0xa6: {  	s26 =	simm.s32 $execute0_lowered;
	[smem:$0x3FD2] =	sst s25  }
0xa7: {  	s6 =	sshll.u32 s26, $0x1;
	_ =	strace $0x80000046;
	[dreg:$0x1] =	wrdreg $0xFFFFFFFF  }
0xa8: {  	s28 =	simm.s32 $_size_execute0_lowered;
	s4 =	sadd.s32 s4, s6;
	[dreg:$0x0] =	wrdreg $0x0  }
0xa9: {  	s6 =	sshll.u32 s28, $0x1;
	[dreg:$0x2] =	wrdreg s4  }
0xaa: {  	[dreg:$0x3] =	wrdreg s6  }
0xab: {  	[dreg:$0x4] =	wrdreg $0xC0  }
0xac: {  	_ =	task [dreg:s8], $0x5FFFF  }
0xad: {  	[dreg:$0x1] =	wrdreg $0xFFFFFFFF  }
0xae: {  	[dreg:$0x0] =	wrdreg $0x60  }
0xaf: {  	[dreg:$0x2] =	wrdreg s2  }
0xb0: {  	[dreg:$0x3] =	wrdreg s18  }
0xb1: {  	[dreg:$0x4] =	wrdreg s24  }
0xb2: {  	[dreg:$0x5] =	wrdreg $0x9  }
0xb3: {  	_ =	task.clear_ibuf [dreg:s8], $0x6FFFF;
	_ =	strace $0x90000046  }
0xb4: {  	s29 =	simm.s32 $0x9;
	_ =	strace $0x80000048  }
0xb5: {  	_ =	swait.ge [sflag:s29], $0x1  }
0xb6: {  	[sflag:s29] =	ssyncadd.s32 $0xFFFFFFFF  }
0xb7: {  	_ =	strace $0x90000048  }
0xb8: {  	_ =	sfence  }
0xb9: {  	s30 =	sld [smem:$0x0];
	_ =	sdelay $0x2  }
0xba: {  	s31 =	sshll.u32 s1, $0xD;
	s1 =	sshrl.u32 s1, $0x2  }
0xbb: {  	s3 =	sand.u32 $0x4000, s31;
	s1 =	sadd.s32 s1, s30  }
0xbc: {  	s0 =	sor.u32 s3, s0;
	s1 =	sshll.u32 s1, $0x11  }
0xbd: {  	s0 =	sor.u32 s1, s0  }
0xbe: {  	s0 =	sadd.s32 $0x8F2B, s0  }
0xbf: {  	[sflag:s0] =	ssyncadd.remote.s32 $0x1  }
0xc0: {  	_ =	sfence.sel $0xFFFF  }
0xc1: {  	[dreg:$0x0] =	wrdreg $0xFFFFFFFF;
	(pc) =	sbr.abs _section_cstart, $3  }
0xc2: {  	[dreg:$0x1] =	wrdreg $0xFFFFFFFF  }
0xc3: {  	_ =	task.clear_ibuf [dreg:s8], $0x2FFFF;
	_ =	strace $0x9FFFFFFF  }
0xc4: {  	(tm) =	ssettm $0x7FFFFFFF  }
0xc5: {  	_ =	shalt  }
tec
execute0_lowered:
.L_overlay_start_1:
0x0: {  	(tag) =	ssettag $0x1  }
0x1: {  	s1 =	rddreg [dreg:$0x0]  }
0x2: {  	s0 =	srdreg.scid;
	s3 =	rddreg [dreg:$0x1]  }
0x3: {  	s5 =	rddreg [dreg:$0x2];
	s4 =	simm.s32 $0x0;
	s9 =	simm.s32 $0x19000  }
0x4: {  	s11 =	simm.s32 $0x1A000;
	s12 =	simm.s32 $0x1;
	s15 =	simm.s32 $0x400  }
0x5: {  	s16 =	simm.s32 $0x3;
	s17 =	simm.s32 $0x0;
	s10 =	sand.u32 $0x1, s0  }
0x6: {  	v0 =	vlaneseq.u32;
	s0 =	stileid.u32;
	[smem:$0x7FF] =	sst s4;
	s2 =	sshll.u32 s10, $0x4  }
0x7: {  	v2 =	vmul.u32 $0x2, v0;
	s7 =	sshll.u32 s0, $0x7;
	s31 =	ssub.s32 $0x2, s10;
	s2 =	sor.u32 s0, s2  }
0x8: {  	s13 =	sshll.u32 s0, $0x5;
	p0 =	sgt.u32 s0, $0x4;
	s2 =	sshrl.u32 s2, $0x3  }
0x9: {  	s7 =	sand.u32 $0x380, s7;
	s8 =	sshrl.u32 s31, $0x1;
	v0 =	vor.u32 $0x1, v2;
	s6 =	smul.u32 $0xC4000, s2  }
.Ltmp0:
0xa: {  	s14 =	sor.u32 $0x18600, s13;
	v2 =	vor.u32 s10, v2;
	s10 =	simm.s32 $0x19800;
	v1 =	vor.u32 s13, v0;
	(pc) =	sbr.rel .LBB2_1-.Ltmp0, $4  }
0xb: {  	v3 =	vor.u32 s13, v2;
	v4 =	vor.u32 s14, v0;
	v5 =	vor.u32 s14, v2;
	s13 =	simm.s32 $0x2;
	s14 =	simm.s32 $0x80;
	s6 =	sor.u32 s7, s6  }
0xc: {  	s2 =	rddreg [dreg:$0x3];
	_ =	strace $0x80000047;
	s6 =	sshrl.u32 s6, $0x3  }
0xd: {  	s7 =	ssub.s32 s31, s8;
	s8 =	simm.s32 $0x18800;
	s6 =	sadd.s32 s6, s5  }
0xe: {  	v6 =	vimm.f32 $0.0e+00;
	vm0 =	vmmov $0xffff;
	vm1 =	vmmov @!p0 $0xffff;
	s7 =	smax.u32 s7, $0x1;
	s5 =	sor.u32 $0x20, s0;
	s6 =	sadd.s32 $0x1400, s6  }
.LBB2_15:
0xf: {  	s17 =	sadd.s32 $0x1, s17  }
0x10: {  	p1 =	sne.s32 s17, s7  }
.Ltmp1:
0x11: {  	_ = 	snop;
	(pc) =	sbr.rel @!p1 .LBB2_16-.Ltmp1, $4  }
0x12: {  	[hbm4b:s6+s14] =	stream.strided.scatter [tilespmem:s4], [sflag:$0x3], $0x18800, s15, s14, $0x38;
	[tilespmem:$0x1A800] =	vst v63  }
0x13: {  	_ =	swait.ge [sflag:s16], $0x18800  }
0x14: {  	[sflag:s16] =	ssyncset.done $0x0  }
0x15: {  	[sflag:s16] =	ssyncadd.s32 $0xFFFE7800  }
.LBB2_1:
0x16: {  	s18 =	simm.s32 $0x20  }
0x17: {  	[tilespmem:s18+$0xFFFFFFE0] =	vst v6  }
0x18: {  	[tilespmem:s18+$0x10] =	vst v6  }
0x19: {  	s19 =	simm.s32 $0x0;
	[tilespmem:s18+$0x0] =	vst v6  }
.LBB2_2:
0x1a: {  	s19 =	sadd.s32 $0x4, s19  }
0x1b: {  	[tilespmem:s18+$0xFFFFFFF0] =	vst v6;
	s18 =	sadd.s32 $0x40, s18;
	p1 =	slt.u32 s19, $0x187C  }
.Ltmp2:
0x1c: {  	[tilespmem:s18+$0xFFFFFFE0] =	vst v6;
	(pc) =	sbr.rel @p1 .LBB2_2-.Ltmp2, $3  }
0x1d: {  	_ =	sdelay $0x1  }
0x1e: {  	[tilespmem:s18+$0x10] =	vst v6  }
0x1f: {  	[tilespmem:s18+$0x0] =	vst v6  }
0x20: {  	_ =	sdelay $0x2  }
0x21: {  	[tilespmem:s18+$0xFFFFFFF0] =	vst v6;
	s18 =	simm.s32 $0x0  }
0x22: {  	[tilespmem:s8], [sflag:$0x1] =	stream.indirect_vreg.gather [hbm4b:s1+s18], $0x80, v1, vm0, $0xb8;
	[tilespmem:$0x1A800] =	vst v63  }
0x23: {  	_ = 	snop  }
0x24: {  	[tilespmem:s9], [sflag:$0x1] =	stream.indirect_vreg.gather [hbm4b:s3+s18], $0x80, v3, vm0, $0xb8;
	[tilespmem:$0x1A800] =	vst v63  }
.LBB2_4:
0x25: {  	s19 =	sshll.u32 s18, $0x5  }
0x26: {  	s20 =	sor.u32 s0, s19  }
0x27: {  	s20 =	sshll.u32 s20, $0x5  }
0x28: {  	s20 =	sor.u32 $0x200, s20  }
0x29: {  	v7 =	vor.u32 s20, v0;
	_ =	sdelay $0x1  }
0x2a: {  	v8 =	vor.u32 s20, v2;
	_ =	sdelay $0x2  }
0x2b: {  	[tilespmem:s10], [sflag:$0x2] =	stream.indirect_vreg.gather [hbm4b:s1+s4], $0x80, v7, vm0, $0xb8;
	[tilespmem:$0x1A800] =	vst v63  }
0x2c: {  	_ = 	snop  }
0x2d: {  	[tilespmem:s11], [sflag:$0x2] =	stream.indirect_vreg.gather [hbm4b:s3+s4], $0x80, v8, vm0, $0xb8;
	[tilespmem:$0x1A800] =	vst v63  }
0x2e: {  	_ =	swait.ge [sflag:s12], $0x800  }
0x2f: {  	[sflag:s12] =	ssyncset.done $0x0  }
0x30: {  	[sflag:s12] =	ssyncadd.s32 $0xFFFFF800  }
0x31: {  	_ =	swait.ge [sflag:s12], $0x800  }
0x32: {  	[sflag:s12] =	ssyncset.done $0x0  }
0x33: {  	s21 =	simm.s32 $0x18880;
	[sflag:s12] =	ssyncadd.s32 $0xFFFFF800  }
0x34: {  	v7 =	vld [tilespmem:s21+$0x0];
	_ =	sdelay $0x1  }
0x35: {  	s20 =	simm.s32 $0x19080  }
0x36: {  	v8 =	vld [tilespmem:s20+$0x0];
	_ =	sdelay $0x3  }
0x37: {  	v9 =	vld [tilespmem:s21+$0xFFFFFF80]  }
0x38: {  	[tilespmem:v7+s4+$0x0] =	vst.idx.add.f32.msk $0xffff, v8  }
0x39: {  	v7 =	vld [tilespmem:s21+$0x10]  }
0x3a: {  	v10 =	vld [tilespmem:s20+$0xFFFFFF80];
	_ =	sdelay $0x1  }
0x3b: {  	v8 =	vld [tilespmem:s20+$0x10];
	_ =	sdelay $0x2  }
0x3c: {  	[tilespmem:v9+s4+$0x0] =	vst.idx.add.f32.msk $0xffff, v10  }
0x3d: {  	v9 =	vld [tilespmem:s21+$0xFFFFFF90]  }
0x3e: {  	[tilespmem:v7+s4+$0x0] =	vst.idx.add.f32.msk $0xffff, v8  }
0x3f: {  	v7 =	vld [tilespmem:s21+$0x20]  }
0x40: {  	v10 =	vld [tilespmem:s20+$0xFFFFFF90];
	_ =	sdelay $0x1  }
0x41: {  	v8 =	vld [tilespmem:s20+$0x20];
	_ =	sdelay $0x2  }
0x42: {  	[tilespmem:v9+s4+$0x0] =	vst.idx.add.f32.msk $0xffff, v10  }
0x43: {  	v9 =	vld [tilespmem:s21+$0xFFFFFFA0]  }
0x44: {  	[tilespmem:v7+s4+$0x0] =	vst.idx.add.f32.msk $0xffff, v8  }
0x45: {  	v7 =	vld [tilespmem:s21+$0x30]  }
0x46: {  	v10 =	vld [tilespmem:s20+$0xFFFFFFA0];
	_ =	sdelay $0x1  }
0x47: {  	v8 =	vld [tilespmem:s20+$0x30]  }
0x48: {  	s22 =	simm.s32 $0x18980  }
0x49: {  	v13 =	vld [tilespmem:s22+$0xFFFFFF80]  }
0x4a: {  	[tilespmem:v9+s4+$0x0] =	vst.idx.add.f32.msk $0xffff, v10  }
0x4b: {  	v9 =	vld [tilespmem:s21+$0xFFFFFFB0]  }
0x4c: {  	[tilespmem:v7+s4+$0x0] =	vst.idx.add.f32.msk $0xffff, v8  }
0x4d: {  	s23 =	simm.s32 $0x19180;
	v7 =	vld [tilespmem:s21+$0x40]  }
0x4e: {  	v14 =	vld [tilespmem:s23+$0xFFFFFF80]  }
0x4f: {  	v10 =	vld [tilespmem:s20+$0xFFFFFFB0]  }
0x50: {  	v8 =	vld [tilespmem:s20+$0x40];
	_ =	sdelay $0x1  }
0x51: {  	v11 =	vld [tilespmem:s22+$0x0]  }
0x52: {  	[tilespmem:v13+s4+$0x0] =	vst.idx.add.f32.msk $0xffff, v14  }
0x53: {  	[tilespmem:v9+s4+$0x0] =	vst.idx.add.f32.msk $0xffff, v10  }
0x54: {  	[tilespmem:v7+s4+$0x0] =	vst.idx.add.f32.msk $0xffff, v8  }
0x55: {  	v8 =	vld [tilespmem:s23+$0x0]  }
0x56: {  	v9 =	vld [tilespmem:s21+$0xFFFFFFC0]  }
0x57: {  	v10 =	vld [tilespmem:s20+$0xFFFFFFC0]  }
0x58: {  	v7 =	vld [tilespmem:s21+$0x50]  }
0x59: {  	v12 =	vld [tilespmem:s20+$0x50]  }
0x5a: {  	[tilespmem:v11+s4+$0x0] =	vst.idx.add.f32.msk $0xffff, v8  }
0x5b: {  	v11 =	vld [tilespmem:s22+$0xFFFFFF90]  }
0x5c: {  	v8 =	vld [tilespmem:s22+$0x10]  }
0x5d: {  	v61 =	vld [tilespmem:s23+$0xFFFFFF90]  }
0x5e: {  	[tilespmem:v9+s4+$0x0] =	vst.idx.add.f32.msk $0xffff, v10  }
0x5f: {  	v9 =	vld [tilespmem:s23+$0x10]  }
0x60: {  	[tilespmem:v7+s4+$0x0] =	vst.idx.add.f32.msk $0xffff, v12  }
0x61: {  	v7 =	vld [tilespmem:s21+$0x60]  }
0x62: {  	v10 =	vld [tilespmem:s20+$0x60]  }
0x63: {  	[tilespmem:v11+s4+$0x0] =	vst.idx.add.f32.msk $0xffff, v61  }
0x64: {  	[tilespmem:v8+s4+$0x0] =	vst.idx.add.f32.msk $0xffff, v9  }
0x65: {  	v11 =	vld [tilespmem:s22+$0xFFFFFFA0]  }
0x66: {  	v12 =	vld [tilespmem:s23+$0xFFFFFFA0]  }
0x67: {  	v8 =	vld [tilespmem:s22+$0x20]  }
0x68: {  	v9 =	vld [tilespmem:s23+$0x20]  }
0x69: {  	[tilespmem:v7+s4+$0x0] =	vst.idx.add.f32.msk $0xffff, v10  }
0x6a: {  	v7 =	vld [tilespmem:s21+$0x70];
	_ =	sdelay $0x2  }
0x6b: {  	v10 =	vld [tilespmem:s20+$0x70]  }
0x6c: {  	[tilespmem:v11+s4+$0x0] =	vst.idx.add.f32.msk $0xffff, v12  }
0x6d: {  	[tilespmem:v8+s4+$0x0] =	vst.idx.add.f32.msk $0xffff, v9  }
0x6e: {  	v8 =	vld [tilespmem:s22+$0x30]  }
0x6f: {  	v9 =	vld [tilespmem:s21+$0xFFFFFFD0]  }
0x70: {  	[tilespmem:v7+s4+$0x0] =	vst.idx.add.f32.msk $0xffff, v10  }
0x71: {  	v7 =	vld [tilespmem:s23+$0x30]  }
0x72: {  	v11 =	vld [tilespmem:s22+$0xFFFFFFB0]  }
0x73: {  	v10 =	vld [tilespmem:s20+$0xFFFFFFD0];
	_ =	sdelay $0x1  }
0x74: {  	v12 =	vld [tilespmem:s23+$0xFFFFFFB0]  }
0x75: {  	[tilespmem:v8+s4+$0x0] =	vst.idx.add.f32.msk $0xffff, v7  }
0x76: {  	v62 =	vld [tilespmem:s22+$0x40]  }
0x77: {  	[tilespmem:v9+s4+$0x0] =	vst.idx.add.f32.msk $0xffff, v10  }
0x78: {  	v10 =	vld [tilespmem:s21+$0xFFFFFFE0]  }
0x79: {  	v9 =	vld [tilespmem:s23+$0x40]  }
0x7a: {  	[tilespmem:v11+s4+$0x0] =	vst.idx.add.f32.msk $0xffff, v12  }
0x7b: {  	v63 =	vld [tilespmem:s20+$0xFFFFFFE0]  }
0x7c: {  	v7 =	vld [tilespmem:s22+$0xFFFFFFC0]  }
0x7d: {  	v8 =	vld [tilespmem:s23+$0xFFFFFFC0]  }
0x7e: {  	[tilespmem:v62+s4+$0x0] =	vst.idx.add.f32.msk $0xffff, v9  }
0x7f: {  	v9 =	vld [tilespmem:s22+$0x50]  }
0x80: {  	s25 =	simm.s32 $0x2;
	s26 =	simm.s32 $0x18A80;
	s24 =	simm.s32 $0x19180;
	[tilespmem:v10+s4+$0x0] =	vst.idx.add.f32.msk $0xffff, v63  }
.LBB2_5:
0x81: {  	v10 =	vld [tilespmem:s26+$0x0]  }
0x82: {  	s25 =	sadd.s32 $0x2, s25;
	v11 =	vld [tilespmem:s23+$0x50]  }
0x83: {  	p1 =	slt.u32 s25, $0xE;
	s23 =	sadd.s32 $0x100, s23;
	v12 =	vld [tilespmem:s26+$0xFFFFFF80]  }
0x84: {  	v13 =	vld [tilespmem:s23+$0x0]  }
0x85: {  	v14 =	vld [tilespmem:s23+$0xFFFFFF80]  }
0x86: {  	[tilespmem:v7+s4+$0x0] =	vst.idx.add.f32.msk $0xffff, v8  }
0x87: {  	[tilespmem:v9+s4+$0x0] =	vst.idx.add.f32.msk $0xffff, v11  }
0x88: {  	v7 =	vld [tilespmem:s22+$0x60]  }
0x89: {  	[tilespmem:v10+s4+$0x0] =	vst.idx.add.f32.msk $0xffff, v13  }
0x8a: {  	v8 =	vld [tilespmem:s26+$0x10]  }
0x8b: {  	v9 =	vld [tilespmem:s24+$0x60]  }
0x8c: {  	[tilespmem:v12+s4+$0x0] =	vst.idx.add.f32.msk $0xffff, v14  }
0x8d: {  	v10 =	vld [tilespmem:s23+$0x10]  }
0x8e: {  	v11 =	vld [tilespmem:s26+$0xFFFFFF90]  }
0x8f: {  	v12 =	vld [tilespmem:s23+$0xFFFFFF90]  }
0x90: {  	[tilespmem:v7+s4+$0x0] =	vst.idx.add.f32.msk $0xffff, v9  }
0x91: {  	v7 =	vld [tilespmem:s22+$0x70]  }
0x92: {  	[tilespmem:v8+s4+$0x0] =	vst.idx.add.f32.msk $0xffff, v10  }
0x93: {  	v8 =	vld [tilespmem:s26+$0x20]  }
0x94: {  	v9 =	vld [tilespmem:s24+$0x70]  }
0x95: {  	v10 =	vld [tilespmem:s22+$0xFFFFFFD0]  }
0x96: {  	[tilespmem:v11+s4+$0x0] =	vst.idx.add.f32.msk $0xffff, v12  }
0x97: {  	v11 =	vld [tilespmem:s23+$0x20]  }
0x98: {  	v12 =	vld [tilespmem:s26+$0xFFFFFFA0]  }
0x99: {  	[tilespmem:v7+s4+$0x0] =	vst.idx.add.f32.msk $0xffff, v9  }
0x9a: {  	v7 =	vld [tilespmem:s23+$0xFFFFFFA0]  }
0x9b: {  	v9 =	vld [tilespmem:s24+$0xFFFFFFD0]  }
0x9c: {  	[tilespmem:v8+s4+$0x0] =	vst.idx.add.f32.msk $0xffff, v11  }
0x9d: {  	v8 =	vld [tilespmem:s26+$0x30]  }
0x9e: {  	v11 =	vld [tilespmem:s21+$0xFFFFFFF0];
	s21 =	smov.u32 s22;
	s22 =	smov.u32 s26  }
0x9f: {  	v13 =	vld [tilespmem:s20+$0xFFFFFFF0];
	s20 =	smov.u32 s24;
	s24 =	smov.u32 s23  }
0xa0: {  	v14 =	vld [tilespmem:s23+$0x30]  }
0xa1: {  	[tilespmem:v12+s4+$0x0] =	vst.idx.add.f32.msk $0xffff, v7  }
0xa2: {  	v7 =	vld [tilespmem:s26+$0xFFFFFFB0]  }
0xa3: {  	v12 =	vld [tilespmem:s23+$0xFFFFFFB0]  }
0xa4: {  	[tilespmem:v10+s4+$0x0] =	vst.idx.add.f32.msk $0xffff, v9  }
0xa5: {  	[tilespmem:v8+s4+$0x0] =	vst.idx.add.f32.msk $0xffff, v14  }
0xa6: {  	v9 =	vld [tilespmem:s26+$0x40]  }
0xa7: {  	v10 =	vld [tilespmem:s21+$0xFFFFFFE0]  }
0xa8: {  	v14 =	vld [tilespmem:s20+$0xFFFFFFE0]  }
0xa9: {  	v15 =	vld [tilespmem:s23+$0x40]  }
0xaa: {  	[tilespmem:v7+s4+$0x0] =	vst.idx.add.f32.msk $0xffff, v12  }
0xab: {  	v7 =	vld [tilespmem:s26+$0xFFFFFFC0]  }
.Ltmp3:
0xac: {  	v8 =	vld [tilespmem:s23+$0xFFFFFFC0];
	(pc) =	sbr.rel @p1 .LBB2_5-.Ltmp3, $4  }
0xad: {  	[tilespmem:v11+s4+$0x0] =	vst.idx.add.f32.msk $0xffff, v13  }
0xae: {  	[tilespmem:v9+s4+$0x0] =	vst.idx.add.f32.msk $0xffff, v15  }
0xaf: {  	v9 =	vld [tilespmem:s26+$0x50]  }
0xb0: {  	s26 =	sadd.s32 $0x100, s26;
	[tilespmem:v10+s4+$0x0] =	vst.idx.add.f32.msk $0xffff, v14  }
0xb1: {  	_ =	sdelay $0x2  }
0xb2: {  	v10 =	vld [tilespmem:s23+$0x50]  }
0xb3: {  	[tilespmem:v7+s4+$0x0] =	vst.idx.add.f32.msk $0xffff, v8  }
0xb4: {  	v7 =	vld [tilespmem:s22+$0xFFFFFFD0];
	_ =	sdelay $0x2  }
0xb5: {  	v8 =	vld [tilespmem:s24+$0xFFFFFFD0];
	_ =	sdelay $0x1  }
0xb6: {  	[tilespmem:v9+s4+$0x0] =	vst.idx.add.f32.msk $0xffff, v10  }
0xb7: {  	v9 =	vld [tilespmem:s22+$0x60]  }
0xb8: {  	v10 =	vld [tilespmem:s24+$0x60]  }
0xb9: {  	[tilespmem:v7+s4+$0x0] =	vst.idx.add.f32.msk $0xffff, v8  }
0xba: {  	v7 =	vld [tilespmem:s22+$0xFFFFFFE0];
	_ =	sdelay $0x2  }
0xbb: {  	v8 =	vld [tilespmem:s24+$0xFFFFFFE0];
	_ =	sdelay $0x1  }
0xbc: {  	[tilespmem:v9+s4+$0x0] =	vst.idx.add.f32.msk $0xffff, v10  }
0xbd: {  	v10 =	vld [tilespmem:s21+$0xFFFFFFF0]  }
0xbe: {  	v9 =	vld [tilespmem:s22+$0x70]  }
0xbf: {  	[tilespmem:v7+s4+$0x0] =	vst.idx.add.f32.msk $0xffff, v8  }
0xc0: {  	v7 =	vld [tilespmem:s22+$0xFFFFFFF0]  }
0xc1: {  	v8 =	vld [tilespmem:s24+$0x70]  }
0xc2: {  	v11 =	vld [tilespmem:s20+$0xFFFFFFF0];
	s19 =	sadd.s32 s5, s19  }
0xc3: {  	s19 =	sshll.u32 s19, $0x5;
	v12 =	vld [tilespmem:s24+$0xFFFFFFF0]  }
0xc4: {  	v13 =	vor.u32 s19, v0;
	_ =	sdelay $0x1  }
0xc5: {  	[tilespmem:v9+s4+$0x0] =	vst.idx.add.f32.msk $0xffff, v8;
	v8 =	vor.u32 s19, v2  }
0xc6: {  	[tilespmem:v10+s4+$0x0] =	vst.idx.add.f32.msk $0xffff, v11  }
0xc7: {  	[tilespmem:v7+s4+$0x0] =	vst.idx.add.f32.msk $0xffff, v12  }
0xc8: {  	[tilespmem:s8], [sflag:$0x1] =	stream.indirect_vreg.gather [hbm4b:s1+s4], $0x80, v13, vm0, $0xb8;
	[tilespmem:$0x1A800] =	vst v63  }
0xc9: {  	_ = 	snop  }
0xca: {  	[tilespmem:s9], [sflag:$0x1] =	stream.indirect_vreg.gather [hbm4b:s3+s4], $0x80, v8, vm0, $0xb8;
	[tilespmem:$0x1A800] =	vst v63  }
0xcb: {  	_ =	swait.ge [sflag:s13], $0x800  }
0xcc: {  	[sflag:s13] =	ssyncset.done $0x0  }
0xcd: {  	[sflag:s13] =	ssyncadd.s32 $0xFFFFF800  }
0xce: {  	_ =	swait.ge [sflag:s13], $0x800  }
0xcf: {  	[sflag:s13] =	ssyncset.done $0x0  }
0xd0: {  	s20 =	simm.s32 $0x19880;
	[sflag:s13] =	ssyncadd.s32 $0xFFFFF800  }
0xd1: {  	v7 =	vld [tilespmem:s20+$0x0];
	_ =	sdelay $0x1  }
0xd2: {  	s19 =	simm.s32 $0x1A080  }
0xd3: {  	v8 =	vld [tilespmem:s19+$0x0];
	_ =	sdelay $0x3  }
0xd4: {  	v9 =	vld [tilespmem:s20+$0xFFFFFF80]  }
0xd5: {  	[tilespmem:v7+s4+$0x0] =	vst.idx.add.f32.msk $0xffff, v8  }
0xd6: {  	v7 =	vld [tilespmem:s20+$0x10]  }
0xd7: {  	v10 =	vld [tilespmem:s19+$0xFFFFFF80];
	_ =	sdelay $0x1  }
0xd8: {  	v8 =	vld [tilespmem:s19+$0x10];
	_ =	sdelay $0x2  }
0xd9: {  	[tilespmem:v9+s4+$0x0] =	vst.idx.add.f32.msk $0xffff, v10  }
0xda: {  	v9 =	vld [tilespmem:s20+$0xFFFFFF90]  }
0xdb: {  	[tilespmem:v7+s4+$0x0] =	vst.idx.add.f32.msk $0xffff, v8  }
0xdc: {  	v7 =	vld [tilespmem:s20+$0x20]  }
0xdd: {  	v10 =	vld [tilespmem:s19+$0xFFFFFF90];
	_ =	sdelay $0x1  }
0xde: {  	v8 =	vld [tilespmem:s19+$0x20];
	_ =	sdelay $0x2  }
0xdf: {  	[tilespmem:v9+s4+$0x0] =	vst.idx.add.f32.msk $0xffff, v10  }
0xe0: {  	v9 =	vld [tilespmem:s20+$0xFFFFFFA0]  }
0xe1: {  	[tilespmem:v7+s4+$0x0] =	vst.idx.add.f32.msk $0xffff, v8  }
0xe2: {  	v7 =	vld [tilespmem:s20+$0x30]  }
0xe3: {  	v10 =	vld [tilespmem:s19+$0xFFFFFFA0];
	_ =	sdelay $0x1  }
0xe4: {  	v8 =	vld [tilespmem:s19+$0x30]  }
0xe5: {  	s21 =	simm.s32 $0x19980  }
0xe6: {  	v60 =	vld [tilespmem:s21+$0xFFFFFF80]  }
0xe7: {  	[tilespmem:v9+s4+$0x0] =	vst.idx.add.f32.msk $0xffff, v10  }
0xe8: {  	v9 =	vld [tilespmem:s20+$0xFFFFFFB0]  }
0xe9: {  	[tilespmem:v7+s4+$0x0] =	vst.idx.add.f32.msk $0xffff, v8  }
0xea: {  	s22 =	simm.s32 $0x1A180;
	v7 =	vld [tilespmem:s20+$0x40]  }
0xeb: {  	v14 =	vld [tilespmem:s22+$0xFFFFFF80]  }
0xec: {  	v10 =	vld [tilespmem:s19+$0xFFFFFFB0]  }
0xed: {  	v8 =	vld [tilespmem:s19+$0x40];
	_ =	sdelay $0x1  }
0xee: {  	v11 =	vld [tilespmem:s21+$0x0]  }
0xef: {  	[tilespmem:v60+s4+$0x0] =	vst.idx.add.f32.msk $0xffff, v14  }
0xf0: {  	[tilespmem:v9+s4+$0x0] =	vst.idx.add.f32.msk $0xffff, v10  }
0xf1: {  	[tilespmem:v7+s4+$0x0] =	vst.idx.add.f32.msk $0xffff, v8  }
0xf2: {  	v8 =	vld [tilespmem:s22+$0x0]  }
0xf3: {  	v9 =	vld [tilespmem:s20+$0xFFFFFFC0]  }
0xf4: {  	v10 =	vld [tilespmem:s19+$0xFFFFFFC0]  }
0xf5: {  	v7 =	vld [tilespmem:s20+$0x50]  }
0xf6: {  	v59 =	vld [tilespmem:s19+$0x50]  }
0xf7: {  	[tilespmem:v11+s4+$0x0] =	vst.idx.add.f32.msk $0xffff, v8  }
0xf8: {  	v11 =	vld [tilespmem:s21+$0xFFFFFF90]  }
0xf9: {  	v8 =	vld [tilespmem:s21+$0x10]  }
0xfa: {  	v61 =	vld [tilespmem:s22+$0xFFFFFF90]  }
0xfb: {  	[tilespmem:v9+s4+$0x0] =	vst.idx.add.f32.msk $0xffff, v10  }
0xfc: {  	v9 =	vld [tilespmem:s22+$0x10]  }
0xfd: {  	[tilespmem:v7+s4+$0x0] =	vst.idx.add.f32.msk $0xffff, v59  }
0xfe: {  	v7 =	vld [tilespmem:s20+$0x60]  }
0xff: {  	v10 =	vld [tilespmem:s19+$0x60]  }
0x100: {  	[tilespmem:v11+s4+$0x0] =	vst.idx.add.f32.msk $0xffff, v61  }
0x101: {  	[tilespmem:v8+s4+$0x0] =	vst.idx.add.f32.msk $0xffff, v9  }
0x102: {  	v11 =	vld [tilespmem:s21+$0xFFFFFFA0]  }
0x103: {  	v12 =	vld [tilespmem:s22+$0xFFFFFFA0]  }
0x104: {  	v8 =	vld [tilespmem:s21+$0x20]  }
0x105: {  	v9 =	vld [tilespmem:s22+$0x20]  }
0x106: {  	[tilespmem:v7+s4+$0x0] =	vst.idx.add.f32.msk $0xffff, v10  }
0x107: {  	v7 =	vld [tilespmem:s20+$0x70];
	_ =	sdelay $0x2  }
0x108: {  	v10 =	vld [tilespmem:s19+$0x70]  }
0x109: {  	[tilespmem:v11+s4+$0x0] =	vst.idx.add.f32.msk $0xffff, v12  }
0x10a: {  	[tilespmem:v8+s4+$0x0] =	vst.idx.add.f32.msk $0xffff, v9  }
0x10b: {  	v8 =	vld [tilespmem:s21+$0x30]  }
0x10c: {  	v9 =	vld [tilespmem:s20+$0xFFFFFFD0]  }
0x10d: {  	[tilespmem:v7+s4+$0x0] =	vst.idx.add.f32.msk $0xffff, v10  }
0x10e: {  	v7 =	vld [tilespmem:s22+$0x30]  }
0x10f: {  	v11 =	vld [tilespmem:s21+$0xFFFFFFB0]  }
0x110: {  	v10 =	vld [tilespmem:s19+$0xFFFFFFD0];
	_ =	sdelay $0x1  }
0x111: {  	v12 =	vld [tilespmem:s22+$0xFFFFFFB0]  }
0x112: {  	[tilespmem:v8+s4+$0x0] =	vst.idx.add.f32.msk $0xffff, v7  }
0x113: {  	v62 =	vld [tilespmem:s21+$0x40]  }
0x114: {  	[tilespmem:v9+s4+$0x0] =	vst.idx.add.f32.msk $0xffff, v10  }
0x115: {  	v10 =	vld [tilespmem:s20+$0xFFFFFFE0]  }
0x116: {  	v9 =	vld [tilespmem:s22+$0x40]  }
0x117: {  	[tilespmem:v11+s4+$0x0] =	vst.idx.add.f32.msk $0xffff, v12  }
0x118: {  	v63 =	vld [tilespmem:s19+$0xFFFFFFE0]  }
0x119: {  	v7 =	vld [tilespmem:s21+$0xFFFFFFC0]  }
0x11a: {  	v8 =	vld [tilespmem:s22+$0xFFFFFFC0]  }
0x11b: {  	[tilespmem:v62+s4+$0x0] =	vst.idx.add.f32.msk $0xffff, v9  }
0x11c: {  	v9 =	vld [tilespmem:s21+$0x50]  }
0x11d: {  	s25 =	simm.s32 $0x19A80;
	s23 =	simm.s32 $0x1A180;
	s24 =	simm.s32 $0x2;
	[tilespmem:v10+s4+$0x0] =	vst.idx.add.f32.msk $0xffff, v63  }
.LBB2_7:
0x11e: {  	v10 =	vld [tilespmem:s25+$0x0]  }
0x11f: {  	s24 =	sadd.s32 $0x2, s24;
	v11 =	vld [tilespmem:s22+$0x50]  }
0x120: {  	p1 =	slt.u32 s24, $0xE;
	s22 =	sadd.s32 $0x100, s22;
	v12 =	vld [tilespmem:s25+$0xFFFFFF80]  }
0x121: {  	v13 =	vld [tilespmem:s22+$0x0]  }
0x122: {  	v14 =	vld [tilespmem:s22+$0xFFFFFF80]  }
0x123: {  	[tilespmem:v7+s4+$0x0] =	vst.idx.add.f32.msk $0xffff, v8  }
0x124: {  	[tilespmem:v9+s4+$0x0] =	vst.idx.add.f32.msk $0xffff, v11  }
0x125: {  	v7 =	vld [tilespmem:s21+$0x60]  }
0x126: {  	[tilespmem:v10+s4+$0x0] =	vst.idx.add.f32.msk $0xffff, v13  }
0x127: {  	v8 =	vld [tilespmem:s25+$0x10]  }
0x128: {  	v9 =	vld [tilespmem:s23+$0x60]  }
0x129: {  	[tilespmem:v12+s4+$0x0] =	vst.idx.add.f32.msk $0xffff, v14  }
0x12a: {  	v10 =	vld [tilespmem:s22+$0x10]  }
0x12b: {  	v11 =	vld [tilespmem:s25+$0xFFFFFF90]  }
0x12c: {  	v12 =	vld [tilespmem:s22+$0xFFFFFF90]  }
0x12d: {  	[tilespmem:v7+s4+$0x0] =	vst.idx.add.f32.msk $0xffff, v9  }
0x12e: {  	v7 =	vld [tilespmem:s21+$0x70]  }
0x12f: {  	[tilespmem:v8+s4+$0x0] =	vst.idx.add.f32.msk $0xffff, v10  }
0x130: {  	v8 =	vld [tilespmem:s25+$0x20]  }
0x131: {  	v9 =	vld [tilespmem:s23+$0x70]  }
0x132: {  	v10 =	vld [tilespmem:s21+$0xFFFFFFD0]  }
0x133: {  	[tilespmem:v11+s4+$0x0] =	vst.idx.add.f32.msk $0xffff, v12  }
0x134: {  	v11 =	vld [tilespmem:s22+$0x20]  }
0x135: {  	v12 =	vld [tilespmem:s25+$0xFFFFFFA0]  }
0x136: {  	[tilespmem:v7+s4+$0x0] =	vst.idx.add.f32.msk $0xffff, v9  }
0x137: {  	v7 =	vld [tilespmem:s22+$0xFFFFFFA0]  }
0x138: {  	v9 =	vld [tilespmem:s23+$0xFFFFFFD0]  }
0x139: {  	[tilespmem:v8+s4+$0x0] =	vst.idx.add.f32.msk $0xffff, v11  }
0x13a: {  	v8 =	vld [tilespmem:s25+$0x30]  }
0x13b: {  	v11 =	vld [tilespmem:s20+$0xFFFFFFF0];
	s20 =	smov.u32 s21;
	s21 =	smov.u32 s25  }
0x13c: {  	v13 =	vld [tilespmem:s19+$0xFFFFFFF0];
	s19 =	smov.u32 s23;
	s23 =	smov.u32 s22  }
0x13d: {  	v14 =	vld [tilespmem:s22+$0x30]  }
0x13e: {  	[tilespmem:v12+s4+$0x0] =	vst.idx.add.f32.msk $0xffff, v7  }
0x13f: {  	v7 =	vld [tilespmem:s25+$0xFFFFFFB0]  }
0x140: {  	v12 =	vld [tilespmem:s22+$0xFFFFFFB0]  }
0x141: {  	[tilespmem:v10+s4+$0x0] =	vst.idx.add.f32.msk $0xffff, v9  }
0x142: {  	[tilespmem:v8+s4+$0x0] =	vst.idx.add.f32.msk $0xffff, v14  }
0x143: {  	v9 =	vld [tilespmem:s25+$0x40]  }
0x144: {  	v10 =	vld [tilespmem:s20+$0xFFFFFFE0]  }
0x145: {  	v14 =	vld [tilespmem:s19+$0xFFFFFFE0]  }
0x146: {  	v15 =	vld [tilespmem:s22+$0x40]  }
0x147: {  	[tilespmem:v7+s4+$0x0] =	vst.idx.add.f32.msk $0xffff, v12  }
0x148: {  	v7 =	vld [tilespmem:s25+$0xFFFFFFC0]  }
.Ltmp4:
0x149: {  	v8 =	vld [tilespmem:s22+$0xFFFFFFC0];
	(pc) =	sbr.rel @p1 .LBB2_7-.Ltmp4, $4  }
0x14a: {  	[tilespmem:v11+s4+$0x0] =	vst.idx.add.f32.msk $0xffff, v13  }
0x14b: {  	[tilespmem:v9+s4+$0x0] =	vst.idx.add.f32.msk $0xffff, v15  }
0x14c: {  	v9 =	vld [tilespmem:s25+$0x50]  }
0x14d: {  	s25 =	sadd.s32 $0x100, s25;
	[tilespmem:v10+s4+$0x0] =	vst.idx.add.f32.msk $0xffff, v14  }
0x14e: {  	_ =	sdelay $0x3  }
0x14f: {  	[tilespmem:v7+s4+$0x0] =	vst.idx.add.f32.msk $0xffff, v8  }
0x150: {  	v7 =	vld [tilespmem:s21+$0xFFFFFFD0]  }
0x151: {  	v10 =	vld [tilespmem:s22+$0x50];
	_ =	sdelay $0x1  }
0x152: {  	v8 =	vld [tilespmem:s23+$0xFFFFFFD0];
	_ =	sdelay $0x2  }
0x153: {  	[tilespmem:v9+s4+$0x0] =	vst.idx.add.f32.msk $0xffff, v10  }
0x154: {  	v9 =	vld [tilespmem:s21+$0x60]  }
0x155: {  	[tilespmem:v7+s4+$0x0] =	vst.idx.add.f32.msk $0xffff, v8  }
0x156: {  	v7 =	vld [tilespmem:s21+$0xFFFFFFE0]  }
0x157: {  	v10 =	vld [tilespmem:s23+$0x60];
	_ =	sdelay $0x1  }
0x158: {  	v8 =	vld [tilespmem:s23+$0xFFFFFFE0];
	_ =	sdelay $0x1  }
0x159: {  	v63 =	vld [tilespmem:s20+$0xFFFFFFF0]  }
0x15a: {  	[tilespmem:v9+s4+$0x0] =	vst.idx.add.f32.msk $0xffff, v10  }
0x15b: {  	v9 =	vld [tilespmem:s21+$0x70]  }
0x15c: {  	[tilespmem:v7+s4+$0x0] =	vst.idx.add.f32.msk $0xffff, v8  }
0x15d: {  	v7 =	vld [tilespmem:s21+$0xFFFFFFF0]  }
0x15e: {  	v11 =	vld [tilespmem:s19+$0xFFFFFFF0]  }
0x15f: {  	s18 =	sadd.s32 $0x1, s18;
	v8 =	vld [tilespmem:s23+$0x70]  }
0x160: {  	p1 =	sne.s32 s18, $0x61;
	v12 =	vld [tilespmem:s23+$0xFFFFFFF0]  }
.Ltmp5:
0x161: {  	_ = 	snop;
	(pc) =	sbr.rel @p1 .LBB2_4-.Ltmp5, $4  }
0x162: {  	_ = 	snop  }
0x163: {  	[tilespmem:v63+s4+$0x0] =	vst.idx.add.f32.msk $0xffff, v11  }
0x164: {  	[tilespmem:v9+s4+$0x0] =	vst.idx.add.f32.msk $0xffff, v8  }
0x165: {  	[tilespmem:v7+s4+$0x0] =	vst.idx.add.f32.msk $0xffff, v12  }
0x166: {  	_ =	sdelay $0x2  }
0x167: {  	s18 =	simm.s32 @!p0 $0x0;
	s19 =	simm.s32 @!p0 $0x19800  }
0x168: {  	[tilespmem:s19], [sflag:$0x2] =	stream.indirect_vreg.gather @!p0 [hbm4b:s1+s18], $0x80, v4, vm1, $0xb8;
	[tilespmem:$0x1A800] =	vst v63  }
0x169: {  	s19 =	simm.s32 @!p0 $0x1A000  }
0x16a: {  	[tilespmem:s19], [sflag:$0x2] =	stream.indirect_vreg.gather @!p0 [hbm4b:s3+s18], $0x80, v5, vm1, $0xb8;
	[tilespmem:$0x1A800] =	vst v63  }
0x16b: {  	_ =	swait.ge [sflag:s12], $0x800  }
0x16c: {  	[sflag:s12] =	ssyncset.done $0x0  }
0x16d: {  	[sflag:s12] =	ssyncadd.s32 $0xFFFFF800  }
0x16e: {  	_ =	swait.ge [sflag:s12], $0x800  }
0x16f: {  	[sflag:s12] =	ssyncset.done $0x0  }
0x170: {  	s19 =	simm.s32 $0x18880;
	[sflag:s12] =	ssyncadd.s32 $0xFFFFF800  }
0x171: {  	v7 =	vld [tilespmem:s19+$0x0];
	_ =	sdelay $0x1  }
0x172: {  	s18 =	simm.s32 $0x19080  }
0x173: {  	v8 =	vld [tilespmem:s18+$0x0];
	_ =	sdelay $0x3  }
0x174: {  	v9 =	vld [tilespmem:s19+$0xFFFFFF80]  }
0x175: {  	[tilespmem:v7+s4+$0x0] =	vst.idx.add.f32.msk $0xffff, v8  }
0x176: {  	v7 =	vld [tilespmem:s19+$0x10]  }
0x177: {  	v10 =	vld [tilespmem:s18+$0xFFFFFF80];
	_ =	sdelay $0x1  }
0x178: {  	v8 =	vld [tilespmem:s18+$0x10];
	_ =	sdelay $0x2  }
0x179: {  	[tilespmem:v9+s4+$0x0] =	vst.idx.add.f32.msk $0xffff, v10  }
0x17a: {  	v9 =	vld [tilespmem:s19+$0xFFFFFF90]  }
0x17b: {  	[tilespmem:v7+s4+$0x0] =	vst.idx.add.f32.msk $0xffff, v8  }
0x17c: {  	v7 =	vld [tilespmem:s19+$0x20]  }
0x17d: {  	v10 =	vld [tilespmem:s18+$0xFFFFFF90];
	_ =	sdelay $0x1  }
0x17e: {  	v8 =	vld [tilespmem:s18+$0x20];
	_ =	sdelay $0x2  }
0x17f: {  	[tilespmem:v9+s4+$0x0] =	vst.idx.add.f32.msk $0xffff, v10  }
0x180: {  	v9 =	vld [tilespmem:s19+$0xFFFFFFA0]  }
0x181: {  	[tilespmem:v7+s4+$0x0] =	vst.idx.add.f32.msk $0xffff, v8  }
0x182: {  	v7 =	vld [tilespmem:s19+$0x30]  }
0x183: {  	v10 =	vld [tilespmem:s18+$0xFFFFFFA0];
	_ =	sdelay $0x1  }
0x184: {  	v8 =	vld [tilespmem:s18+$0x30]  }
0x185: {  	s20 =	simm.s32 $0x18980  }
0x186: {  	v13 =	vld [tilespmem:s20+$0xFFFFFF80]  }
0x187: {  	[tilespmem:v9+s4+$0x0] =	vst.idx.add.f32.msk $0xffff, v10  }
0x188: {  	v9 =	vld [tilespmem:s19+$0xFFFFFFB0]  }
0x189: {  	[tilespmem:v7+s4+$0x0] =	vst.idx.add.f32.msk $0xffff, v8  }
0x18a: {  	s21 =	simm.s32 $0x19180;
	v7 =	vld [tilespmem:s19+$0x40]  }
0x18b: {  	v14 =	vld [tilespmem:s21+$0xFFFFFF80]  }
0x18c: {  	v10 =	vld [tilespmem:s18+$0xFFFFFFB0]  }
0x18d: {  	v8 =	vld [tilespmem:s18+$0x40];
	_ =	sdelay $0x1  }
0x18e: {  	v11 =	vld [tilespmem:s20+$0x0]  }
0x18f: {  	[tilespmem:v13+s4+$0x0] =	vst.idx.add.f32.msk $0xffff, v14  }
0x190: {  	[tilespmem:v9+s4+$0x0] =	vst.idx.add.f32.msk $0xffff, v10  }
0x191: {  	[tilespmem:v7+s4+$0x0] =	vst.idx.add.f32.msk $0xffff, v8  }
0x192: {  	v8 =	vld [tilespmem:s21+$0x0]  }
0x193: {  	v9 =	vld [tilespmem:s19+$0xFFFFFFC0]  }
0x194: {  	v10 =	vld [tilespmem:s18+$0xFFFFFFC0]  }
0x195: {  	v7 =	vld [tilespmem:s19+$0x50]  }
0x196: {  	v12 =	vld [tilespmem:s18+$0x50]  }
0x197: {  	[tilespmem:v11+s4+$0x0] =	vst.idx.add.f32.msk $0xffff, v8  }
0x198: {  	v11 =	vld [tilespmem:s20+$0xFFFFFF90]  }
0x199: {  	v8 =	vld [tilespmem:s20+$0x10]  }
0x19a: {  	v61 =	vld [tilespmem:s21+$0xFFFFFF90]  }
0x19b: {  	[tilespmem:v9+s4+$0x0] =	vst.idx.add.f32.msk $0xffff, v10  }
0x19c: {  	v9 =	vld [tilespmem:s21+$0x10]  }
0x19d: {  	[tilespmem:v7+s4+$0x0] =	vst.idx.add.f32.msk $0xffff, v12  }
0x19e: {  	v7 =	vld [tilespmem:s19+$0x60]  }
0x19f: {  	v10 =	vld [tilespmem:s18+$0x60]  }
0x1a0: {  	[tilespmem:v11+s4+$0x0] =	vst.idx.add.f32.msk $0xffff, v61  }
0x1a1: {  	[tilespmem:v8+s4+$0x0] =	vst.idx.add.f32.msk $0xffff, v9  }
0x1a2: {  	v11 =	vld [tilespmem:s20+$0xFFFFFFA0]  }
0x1a3: {  	v12 =	vld [tilespmem:s21+$0xFFFFFFA0]  }
0x1a4: {  	v8 =	vld [tilespmem:s20+$0x20]  }
0x1a5: {  	v9 =	vld [tilespmem:s21+$0x20]  }
0x1a6: {  	[tilespmem:v7+s4+$0x0] =	vst.idx.add.f32.msk $0xffff, v10  }
0x1a7: {  	v7 =	vld [tilespmem:s19+$0x70];
	_ =	sdelay $0x2  }
0x1a8: {  	v10 =	vld [tilespmem:s18+$0x70]  }
0x1a9: {  	[tilespmem:v11+s4+$0x0] =	vst.idx.add.f32.msk $0xffff, v12  }
0x1aa: {  	[tilespmem:v8+s4+$0x0] =	vst.idx.add.f32.msk $0xffff, v9  }
0x1ab: {  	v8 =	vld [tilespmem:s20+$0x30]  }
0x1ac: {  	v9 =	vld [tilespmem:s19+$0xFFFFFFD0]  }
0x1ad: {  	[tilespmem:v7+s4+$0x0] =	vst.idx.add.f32.msk $0xffff, v10  }
0x1ae: {  	v7 =	vld [tilespmem:s21+$0x30]  }
0x1af: {  	v11 =	vld [tilespmem:s20+$0xFFFFFFB0]  }
0x1b0: {  	v10 =	vld [tilespmem:s18+$0xFFFFFFD0];
	_ =	sdelay $0x1  }
0x1b1: {  	v12 =	vld [tilespmem:s21+$0xFFFFFFB0]  }
0x1b2: {  	[tilespmem:v8+s4+$0x0] =	vst.idx.add.f32.msk $0xffff, v7  }
0x1b3: {  	v62 =	vld [tilespmem:s20+$0x40]  }
0x1b4: {  	[tilespmem:v9+s4+$0x0] =	vst.idx.add.f32.msk $0xffff, v10  }
0x1b5: {  	v10 =	vld [tilespmem:s19+$0xFFFFFFE0]  }
0x1b6: {  	v9 =	vld [tilespmem:s21+$0x40]  }
0x1b7: {  	[tilespmem:v11+s4+$0x0] =	vst.idx.add.f32.msk $0xffff, v12  }
0x1b8: {  	v63 =	vld [tilespmem:s18+$0xFFFFFFE0]  }
0x1b9: {  	v7 =	vld [tilespmem:s20+$0xFFFFFFC0]  }
0x1ba: {  	v8 =	vld [tilespmem:s21+$0xFFFFFFC0]  }
0x1bb: {  	[tilespmem:v62+s4+$0x0] =	vst.idx.add.f32.msk $0xffff, v9  }
0x1bc: {  	v9 =	vld [tilespmem:s20+$0x50]  }
0x1bd: {  	s23 =	simm.s32 $0x2;
	s24 =	simm.s32 $0x18A80;
	s22 =	simm.s32 $0x19180;
	[tilespmem:v10+s4+$0x0] =	vst.idx.add.f32.msk $0xffff, v63  }
.LBB2_10:
0x1be: {  	v10 =	vld [tilespmem:s24+$0x0]  }
0x1bf: {  	s23 =	sadd.s32 $0x2, s23;
	v11 =	vld [tilespmem:s21+$0x50]  }
0x1c0: {  	p1 =	slt.u32 s23, $0xE;
	s21 =	sadd.s32 $0x100, s21;
	v12 =	vld [tilespmem:s24+$0xFFFFFF80]  }
0x1c1: {  	v13 =	vld [tilespmem:s21+$0x0]  }
0x1c2: {  	v14 =	vld [tilespmem:s21+$0xFFFFFF80]  }
0x1c3: {  	[tilespmem:v7+s4+$0x0] =	vst.idx.add.f32.msk $0xffff, v8  }
0x1c4: {  	[tilespmem:v9+s4+$0x0] =	vst.idx.add.f32.msk $0xffff, v11  }
0x1c5: {  	v7 =	vld [tilespmem:s20+$0x60]  }
0x1c6: {  	[tilespmem:v10+s4+$0x0] =	vst.idx.add.f32.msk $0xffff, v13  }
0x1c7: {  	v8 =	vld [tilespmem:s24+$0x10]  }
0x1c8: {  	v9 =	vld [tilespmem:s22+$0x60]  }
0x1c9: {  	[tilespmem:v12+s4+$0x0] =	vst.idx.add.f32.msk $0xffff, v14  }
0x1ca: {  	v10 =	vld [tilespmem:s21+$0x10]  }
0x1cb: {  	v11 =	vld [tilespmem:s24+$0xFFFFFF90]  }
0x1cc: {  	v12 =	vld [tilespmem:s21+$0xFFFFFF90]  }
0x1cd: {  	[tilespmem:v7+s4+$0x0] =	vst.idx.add.f32.msk $0xffff, v9  }
0x1ce: {  	v7 =	vld [tilespmem:s20+$0x70]  }
0x1cf: {  	[tilespmem:v8+s4+$0x0] =	vst.idx.add.f32.msk $0xffff, v10  }
0x1d0: {  	v8 =	vld [tilespmem:s24+$0x20]  }
0x1d1: {  	v9 =	vld [tilespmem:s22+$0x70]  }
0x1d2: {  	v10 =	vld [tilespmem:s20+$0xFFFFFFD0]  }
0x1d3: {  	[tilespmem:v11+s4+$0x0] =	vst.idx.add.f32.msk $0xffff, v12  }
0x1d4: {  	v11 =	vld [tilespmem:s21+$0x20]  }
0x1d5: {  	v12 =	vld [tilespmem:s24+$0xFFFFFFA0]  }
0x1d6: {  	[tilespmem:v7+s4+$0x0] =	vst.idx.add.f32.msk $0xffff, v9  }
0x1d7: {  	v7 =	vld [tilespmem:s21+$0xFFFFFFA0]  }
0x1d8: {  	v9 =	vld [tilespmem:s22+$0xFFFFFFD0]  }
0x1d9: {  	[tilespmem:v8+s4+$0x0] =	vst.idx.add.f32.msk $0xffff, v11  }
0x1da: {  	v8 =	vld [tilespmem:s24+$0x30]  }
0x1db: {  	v11 =	vld [tilespmem:s19+$0xFFFFFFF0];
	s19 =	smov.u32 s20;
	s20 =	smov.u32 s24  }
0x1dc: {  	v13 =	vld [tilespmem:s18+$0xFFFFFFF0];
	s18 =	smov.u32 s22;
	s22 =	smov.u32 s21  }
0x1dd: {  	v14 =	vld [tilespmem:s21+$0x30]  }
0x1de: {  	[tilespmem:v12+s4+$0x0] =	vst.idx.add.f32.msk $0xffff, v7  }
0x1df: {  	v7 =	vld [tilespmem:s24+$0xFFFFFFB0]  }
0x1e0: {  	v12 =	vld [tilespmem:s21+$0xFFFFFFB0]  }
0x1e1: {  	[tilespmem:v10+s4+$0x0] =	vst.idx.add.f32.msk $0xffff, v9  }
0x1e2: {  	[tilespmem:v8+s4+$0x0] =	vst.idx.add.f32.msk $0xffff, v14  }
0x1e3: {  	v9 =	vld [tilespmem:s24+$0x40]  }
0x1e4: {  	v10 =	vld [tilespmem:s19+$0xFFFFFFE0]  }
0x1e5: {  	v14 =	vld [tilespmem:s18+$0xFFFFFFE0]  }
0x1e6: {  	v15 =	vld [tilespmem:s21+$0x40]  }
0x1e7: {  	[tilespmem:v7+s4+$0x0] =	vst.idx.add.f32.msk $0xffff, v12  }
0x1e8: {  	v7 =	vld [tilespmem:s24+$0xFFFFFFC0]  }
.Ltmp6:
0x1e9: {  	v8 =	vld [tilespmem:s21+$0xFFFFFFC0];
	(pc) =	sbr.rel @p1 .LBB2_10-.Ltmp6, $4  }
0x1ea: {  	[tilespmem:v11+s4+$0x0] =	vst.idx.add.f32.msk $0xffff, v13  }
0x1eb: {  	[tilespmem:v9+s4+$0x0] =	vst.idx.add.f32.msk $0xffff, v15  }
0x1ec: {  	v9 =	vld [tilespmem:s24+$0x50]  }
0x1ed: {  	s24 =	sadd.s32 $0x100, s24;
	[tilespmem:v10+s4+$0x0] =	vst.idx.add.f32.msk $0xffff, v14  }
0x1ee: {  	_ =	sdelay $0x3  }
0x1ef: {  	[tilespmem:v7+s4+$0x0] =	vst.idx.add.f32.msk $0xffff, v8  }
0x1f0: {  	v7 =	vld [tilespmem:s20+$0xFFFFFFD0]  }
0x1f1: {  	v10 =	vld [tilespmem:s21+$0x50];
	_ =	sdelay $0x1  }
0x1f2: {  	v8 =	vld [tilespmem:s22+$0xFFFFFFD0];
	_ =	sdelay $0x2  }
0x1f3: {  	[tilespmem:v9+s4+$0x0] =	vst.idx.add.f32.msk $0xffff, v10  }
0x1f4: {  	v9 =	vld [tilespmem:s20+$0x60]  }
0x1f5: {  	[tilespmem:v7+s4+$0x0] =	vst.idx.add.f32.msk $0xffff, v8  }
0x1f6: {  	v7 =	vld [tilespmem:s20+$0xFFFFFFE0]  }
0x1f7: {  	v10 =	vld [tilespmem:s22+$0x60];
	_ =	sdelay $0x1  }
0x1f8: {  	v8 =	vld [tilespmem:s22+$0xFFFFFFE0];
	_ =	sdelay $0x1  }
0x1f9: {  	v63 =	vld [tilespmem:s19+$0xFFFFFFF0]  }
0x1fa: {  	[tilespmem:v9+s4+$0x0] =	vst.idx.add.f32.msk $0xffff, v10  }
0x1fb: {  	v9 =	vld [tilespmem:s20+$0x70]  }
0x1fc: {  	[tilespmem:v7+s4+$0x0] =	vst.idx.add.f32.msk $0xffff, v8  }
0x1fd: {  	v7 =	vld [tilespmem:s20+$0xFFFFFFF0]  }
0x1fe: {  	v11 =	vld [tilespmem:s18+$0xFFFFFFF0]  }
0x1ff: {  	v8 =	vld [tilespmem:s22+$0x70]  }
0x200: {  	v12 =	vld [tilespmem:s22+$0xFFFFFFF0]  }
.Ltmp7:
0x201: {  	_ = 	snop;
	(pc) =	sbr.rel @p0 .LBB2_15-.Ltmp7, $4  }
0x202: {  	_ = 	snop  }
0x203: {  	[tilespmem:v63+s4+$0x0] =	vst.idx.add.f32.msk $0xffff, v11  }
0x204: {  	[tilespmem:v9+s4+$0x0] =	vst.idx.add.f32.msk $0xffff, v8  }
0x205: {  	[tilespmem:v7+s4+$0x0] =	vst.idx.add.f32.msk $0xffff, v12  }
0x206: {  	_ =	swait.ge [sflag:s13], $0x800  }
0x207: {  	[sflag:s13] =	ssyncset.done $0x0  }
0x208: {  	[sflag:s13] =	ssyncadd.s32 $0xFFFFF800  }
0x209: {  	_ =	swait.ge [sflag:s13], $0x800  }
0x20a: {  	[sflag:s13] =	ssyncset.done $0x0  }
0x20b: {  	s19 =	simm.s32 $0x19880;
	[sflag:s13] =	ssyncadd.s32 $0xFFFFF800  }
0x20c: {  	v7 =	vld [tilespmem:s19+$0x0];
	_ =	sdelay $0x1  }
0x20d: {  	s18 =	simm.s32 $0x1A080  }
0x20e: {  	v8 =	vld [tilespmem:s18+$0x0];
	_ =	sdelay $0x3  }
0x20f: {  	v9 =	vld [tilespmem:s19+$0xFFFFFF80]  }
0x210: {  	[tilespmem:v7+s4+$0x0] =	vst.idx.add.f32.msk $0xffff, v8  }
0x211: {  	v7 =	vld [tilespmem:s19+$0x10]  }
0x212: {  	v10 =	vld [tilespmem:s18+$0xFFFFFF80];
	_ =	sdelay $0x1  }
0x213: {  	v8 =	vld [tilespmem:s18+$0x10];
	_ =	sdelay $0x2  }
0x214: {  	[tilespmem:v9+s4+$0x0] =	vst.idx.add.f32.msk $0xffff, v10  }
0x215: {  	v9 =	vld [tilespmem:s19+$0xFFFFFF90]  }
0x216: {  	[tilespmem:v7+s4+$0x0] =	vst.idx.add.f32.msk $0xffff, v8  }
0x217: {  	v7 =	vld [tilespmem:s19+$0x20]  }
0x218: {  	v10 =	vld [tilespmem:s18+$0xFFFFFF90];
	_ =	sdelay $0x1  }
0x219: {  	v8 =	vld [tilespmem:s18+$0x20];
	_ =	sdelay $0x2  }
0x21a: {  	[tilespmem:v9+s4+$0x0] =	vst.idx.add.f32.msk $0xffff, v10  }
0x21b: {  	v9 =	vld [tilespmem:s19+$0xFFFFFFA0]  }
0x21c: {  	[tilespmem:v7+s4+$0x0] =	vst.idx.add.f32.msk $0xffff, v8  }
0x21d: {  	v7 =	vld [tilespmem:s19+$0x30]  }
0x21e: {  	v10 =	vld [tilespmem:s18+$0xFFFFFFA0];
	_ =	sdelay $0x1  }
0x21f: {  	v8 =	vld [tilespmem:s18+$0x30]  }
0x220: {  	s20 =	simm.s32 $0x19980  }
0x221: {  	v13 =	vld [tilespmem:s20+$0xFFFFFF80]  }
0x222: {  	[tilespmem:v9+s4+$0x0] =	vst.idx.add.f32.msk $0xffff, v10  }
0x223: {  	v9 =	vld [tilespmem:s19+$0xFFFFFFB0]  }
0x224: {  	[tilespmem:v7+s4+$0x0] =	vst.idx.add.f32.msk $0xffff, v8  }
0x225: {  	s21 =	simm.s32 $0x1A180;
	v7 =	vld [tilespmem:s19+$0x40]  }
0x226: {  	v14 =	vld [tilespmem:s21+$0xFFFFFF80]  }
0x227: {  	v10 =	vld [tilespmem:s18+$0xFFFFFFB0]  }
0x228: {  	v8 =	vld [tilespmem:s18+$0x40];
	_ =	sdelay $0x1  }
0x229: {  	v11 =	vld [tilespmem:s20+$0x0]  }
0x22a: {  	[tilespmem:v13+s4+$0x0] =	vst.idx.add.f32.msk $0xffff, v14  }
0x22b: {  	[tilespmem:v9+s4+$0x0] =	vst.idx.add.f32.msk $0xffff, v10  }
0x22c: {  	[tilespmem:v7+s4+$0x0] =	vst.idx.add.f32.msk $0xffff, v8  }
0x22d: {  	v8 =	vld [tilespmem:s21+$0x0]  }
0x22e: {  	v9 =	vld [tilespmem:s19+$0xFFFFFFC0]  }
0x22f: {  	v10 =	vld [tilespmem:s18+$0xFFFFFFC0]  }
0x230: {  	v7 =	vld [tilespmem:s19+$0x50]  }
0x231: {  	v12 =	vld [tilespmem:s18+$0x50]  }
0x232: {  	[tilespmem:v11+s4+$0x0] =	vst.idx.add.f32.msk $0xffff, v8  }
0x233: {  	v11 =	vld [tilespmem:s20+$0xFFFFFF90]  }
0x234: {  	v8 =	vld [tilespmem:s20+$0x10]  }
0x235: {  	v61 =	vld [tilespmem:s21+$0xFFFFFF90]  }
0x236: {  	[tilespmem:v9+s4+$0x0] =	vst.idx.add.f32.msk $0xffff, v10  }
0x237: {  	v9 =	vld [tilespmem:s21+$0x10]  }
0x238: {  	[tilespmem:v7+s4+$0x0] =	vst.idx.add.f32.msk $0xffff, v12  }
0x239: {  	v7 =	vld [tilespmem:s19+$0x60]  }
0x23a: {  	v10 =	vld [tilespmem:s18+$0x60]  }
0x23b: {  	[tilespmem:v11+s4+$0x0] =	vst.idx.add.f32.msk $0xffff, v61  }
0x23c: {  	[tilespmem:v8+s4+$0x0] =	vst.idx.add.f32.msk $0xffff, v9  }
0x23d: {  	v11 =	vld [tilespmem:s20+$0xFFFFFFA0]  }
0x23e: {  	v12 =	vld [tilespmem:s21+$0xFFFFFFA0]  }
0x23f: {  	v8 =	vld [tilespmem:s20+$0x20]  }
0x240: {  	v9 =	vld [tilespmem:s21+$0x20]  }
0x241: {  	[tilespmem:v7+s4+$0x0] =	vst.idx.add.f32.msk $0xffff, v10  }
0x242: {  	v7 =	vld [tilespmem:s19+$0x70];
	_ =	sdelay $0x2  }
0x243: {  	v10 =	vld [tilespmem:s18+$0x70]  }
0x244: {  	[tilespmem:v11+s4+$0x0] =	vst.idx.add.f32.msk $0xffff, v12  }
0x245: {  	[tilespmem:v8+s4+$0x0] =	vst.idx.add.f32.msk $0xffff, v9  }
0x246: {  	v8 =	vld [tilespmem:s20+$0x30]  }
0x247: {  	v9 =	vld [tilespmem:s19+$0xFFFFFFD0]  }
0x248: {  	[tilespmem:v7+s4+$0x0] =	vst.idx.add.f32.msk $0xffff, v10  }
0x249: {  	v7 =	vld [tilespmem:s21+$0x30]  }
0x24a: {  	v11 =	vld [tilespmem:s20+$0xFFFFFFB0]  }
0x24b: {  	v10 =	vld [tilespmem:s18+$0xFFFFFFD0];
	_ =	sdelay $0x1  }
0x24c: {  	v12 =	vld [tilespmem:s21+$0xFFFFFFB0]  }
0x24d: {  	[tilespmem:v8+s4+$0x0] =	vst.idx.add.f32.msk $0xffff, v7  }
0x24e: {  	v62 =	vld [tilespmem:s20+$0x40]  }
0x24f: {  	[tilespmem:v9+s4+$0x0] =	vst.idx.add.f32.msk $0xffff, v10  }
0x250: {  	v10 =	vld [tilespmem:s19+$0xFFFFFFE0]  }
0x251: {  	v9 =	vld [tilespmem:s21+$0x40]  }
0x252: {  	[tilespmem:v11+s4+$0x0] =	vst.idx.add.f32.msk $0xffff, v12  }
0x253: {  	v63 =	vld [tilespmem:s18+$0xFFFFFFE0]  }
0x254: {  	v7 =	vld [tilespmem:s20+$0xFFFFFFC0]  }
0x255: {  	v8 =	vld [tilespmem:s21+$0xFFFFFFC0]  }
0x256: {  	[tilespmem:v62+s4+$0x0] =	vst.idx.add.f32.msk $0xffff, v9  }
0x257: {  	v9 =	vld [tilespmem:s20+$0x50]  }
0x258: {  	s23 =	simm.s32 $0x2;
	s24 =	simm.s32 $0x19A80;
	s22 =	simm.s32 $0x1A180;
	[tilespmem:v10+s4+$0x0] =	vst.idx.add.f32.msk $0xffff, v63  }
.LBB2_13:
0x259: {  	v10 =	vld [tilespmem:s24+$0x0]  }
0x25a: {  	s23 =	sadd.s32 $0x2, s23;
	v11 =	vld [tilespmem:s21+$0x50]  }
0x25b: {  	p1 =	slt.u32 s23, $0xE;
	s21 =	sadd.s32 $0x100, s21;
	v12 =	vld [tilespmem:s24+$0xFFFFFF80]  }
0x25c: {  	v13 =	vld [tilespmem:s21+$0x0]  }
0x25d: {  	v14 =	vld [tilespmem:s21+$0xFFFFFF80]  }
0x25e: {  	[tilespmem:v7+s4+$0x0] =	vst.idx.add.f32.msk $0xffff, v8  }
0x25f: {  	[tilespmem:v9+s4+$0x0] =	vst.idx.add.f32.msk $0xffff, v11  }
0x260: {  	v7 =	vld [tilespmem:s20+$0x60]  }
0x261: {  	[tilespmem:v10+s4+$0x0] =	vst.idx.add.f32.msk $0xffff, v13  }
0x262: {  	v8 =	vld [tilespmem:s24+$0x10]  }
0x263: {  	v9 =	vld [tilespmem:s22+$0x60]  }
0x264: {  	[tilespmem:v12+s4+$0x0] =	vst.idx.add.f32.msk $0xffff, v14  }
0x265: {  	v10 =	vld [tilespmem:s21+$0x10]  }
0x266: {  	v11 =	vld [tilespmem:s24+$0xFFFFFF90]  }
0x267: {  	v12 =	vld [tilespmem:s21+$0xFFFFFF90]  }
0x268: {  	[tilespmem:v7+s4+$0x0] =	vst.idx.add.f32.msk $0xffff, v9  }
0x269: {  	v7 =	vld [tilespmem:s20+$0x70]  }
0x26a: {  	[tilespmem:v8+s4+$0x0] =	vst.idx.add.f32.msk $0xffff, v10  }
0x26b: {  	v8 =	vld [tilespmem:s24+$0x20]  }
0x26c: {  	v9 =	vld [tilespmem:s22+$0x70]  }
0x26d: {  	v10 =	vld [tilespmem:s20+$0xFFFFFFD0]  }
0x26e: {  	[tilespmem:v11+s4+$0x0] =	vst.idx.add.f32.msk $0xffff, v12  }
0x26f: {  	v11 =	vld [tilespmem:s21+$0x20]  }
0x270: {  	v12 =	vld [tilespmem:s24+$0xFFFFFFA0]  }
0x271: {  	[tilespmem:v7+s4+$0x0] =	vst.idx.add.f32.msk $0xffff, v9  }
0x272: {  	v7 =	vld [tilespmem:s21+$0xFFFFFFA0]  }
0x273: {  	v9 =	vld [tilespmem:s22+$0xFFFFFFD0]  }
0x274: {  	[tilespmem:v8+s4+$0x0] =	vst.idx.add.f32.msk $0xffff, v11  }
0x275: {  	v8 =	vld [tilespmem:s24+$0x30]  }
0x276: {  	v11 =	vld [tilespmem:s19+$0xFFFFFFF0];
	s19 =	smov.u32 s20;
	s20 =	smov.u32 s24  }
0x277: {  	v13 =	vld [tilespmem:s18+$0xFFFFFFF0];
	s18 =	smov.u32 s22;
	s22 =	smov.u32 s21  }
0x278: {  	v14 =	vld [tilespmem:s21+$0x30]  }
0x279: {  	[tilespmem:v12+s4+$0x0] =	vst.idx.add.f32.msk $0xffff, v7  }
0x27a: {  	v7 =	vld [tilespmem:s24+$0xFFFFFFB0]  }
0x27b: {  	v12 =	vld [tilespmem:s21+$0xFFFFFFB0]  }
0x27c: {  	[tilespmem:v10+s4+$0x0] =	vst.idx.add.f32.msk $0xffff, v9  }
0x27d: {  	[tilespmem:v8+s4+$0x0] =	vst.idx.add.f32.msk $0xffff, v14  }
0x27e: {  	v9 =	vld [tilespmem:s24+$0x40]  }
0x27f: {  	v10 =	vld [tilespmem:s19+$0xFFFFFFE0]  }
0x280: {  	v14 =	vld [tilespmem:s18+$0xFFFFFFE0]  }
0x281: {  	v15 =	vld [tilespmem:s21+$0x40]  }
0x282: {  	[tilespmem:v7+s4+$0x0] =	vst.idx.add.f32.msk $0xffff, v12  }
0x283: {  	v7 =	vld [tilespmem:s24+$0xFFFFFFC0]  }
.Ltmp8:
0x284: {  	v8 =	vld [tilespmem:s21+$0xFFFFFFC0];
	(pc) =	sbr.rel @p1 .LBB2_13-.Ltmp8, $4  }
0x285: {  	[tilespmem:v11+s4+$0x0] =	vst.idx.add.f32.msk $0xffff, v13  }
0x286: {  	[tilespmem:v9+s4+$0x0] =	vst.idx.add.f32.msk $0xffff, v15  }
0x287: {  	v9 =	vld [tilespmem:s24+$0x50]  }
0x288: {  	s24 =	sadd.s32 $0x100, s24;
	[tilespmem:v10+s4+$0x0] =	vst.idx.add.f32.msk $0xffff, v14  }
0x289: {  	_ =	sdelay $0x3  }
0x28a: {  	[tilespmem:v7+s4+$0x0] =	vst.idx.add.f32.msk $0xffff, v8  }
0x28b: {  	v7 =	vld [tilespmem:s20+$0xFFFFFFD0]  }
0x28c: {  	v10 =	vld [tilespmem:s21+$0x50];
	_ =	sdelay $0x1  }
0x28d: {  	v8 =	vld [tilespmem:s22+$0xFFFFFFD0];
	_ =	sdelay $0x2  }
0x28e: {  	[tilespmem:v9+s4+$0x0] =	vst.idx.add.f32.msk $0xffff, v10  }
0x28f: {  	v9 =	vld [tilespmem:s20+$0x60]  }
0x290: {  	[tilespmem:v7+s4+$0x0] =	vst.idx.add.f32.msk $0xffff, v8  }
0x291: {  	v7 =	vld [tilespmem:s20+$0xFFFFFFE0]  }
0x292: {  	v10 =	vld [tilespmem:s22+$0x60];
	_ =	sdelay $0x1  }
0x293: {  	v8 =	vld [tilespmem:s22+$0xFFFFFFE0];
	_ =	sdelay $0x1  }
0x294: {  	v63 =	vld [tilespmem:s19+$0xFFFFFFF0]  }
0x295: {  	[tilespmem:v9+s4+$0x0] =	vst.idx.add.f32.msk $0xffff, v10  }
0x296: {  	v9 =	vld [tilespmem:s20+$0x70]  }
0x297: {  	[tilespmem:v7+s4+$0x0] =	vst.idx.add.f32.msk $0xffff, v8  }
0x298: {  	v7 =	vld [tilespmem:s20+$0xFFFFFFF0]  }
0x299: {  	v11 =	vld [tilespmem:s18+$0xFFFFFFF0]  }
0x29a: {  	v8 =	vld [tilespmem:s22+$0x70]  }
0x29b: {  	v12 =	vld [tilespmem:s22+$0xFFFFFFF0]  }
.Ltmp9:
0x29c: {  	_ = 	snop;
	(pc) =	sbr.rel .LBB2_15-.Ltmp9, $4  }
0x29d: {  	_ = 	snop  }
0x29e: {  	[tilespmem:v63+s4+$0x0] =	vst.idx.add.f32.msk $0xffff, v11  }
0x29f: {  	[tilespmem:v9+s4+$0x0] =	vst.idx.add.f32.msk $0xffff, v8  }
0x2a0: {  	[tilespmem:v7+s4+$0x0] =	vst.idx.add.f32.msk $0xffff, v12  }
.LBB2_16:
0x2a1: {  	_ =	sfence.sel $0x180000  }
0x2a2: {  	[bflag:$0x0] =	sbarrier.arrive $0xFFFF  }
0x2a3: {  	p0 =	sne.s32 s0, $0x0;
	_ =	strace $0x90000047  }
0x2a4: {  	s0 =	sadd.s32 @!p0 $0x100000, s2;
	[bflag:$0x2] =	sbarrier.arrive $0xFFFF  }
0x2a5: {  	[sflag:s0] =	ssyncadd.tile.s32 @!p0 $0x1;
	_ =	shalt  }
.Lfunc_end2:
_tile_overlayer_lowered:
.L_overlay_start_2:
0x2a6: {  	(tag) =	ssettag $0x2  }
0x2a7: {  	s0 =	rddreg [dreg:$0x0];
	s2 =	stileid.u32  }
0x2a8: {  	s1 =	rddreg [dreg:$0x1];
	p0 =	sne.s32 s2, $0x0  }
0x2a9: {  	s3 =	rddreg [dreg:$0x2];
	[bflag:$0x3] =	sbarrier.arrive $0xFFFF;
	s2 =	simm.s32 @!p0 $0x1C03  }
0x2aa: {  	[timem:s3], [sflag:s2] =	dma.local @!p0 [hbm:s0], s1  }
0x2ab: {  	s0 =	simm.s32 @!p0 $0x3  }
0x2ac: {  	_ =	swait.ge @!p0 [sflag:s0], s1  }
0x2ad: {  	s1 =	ssub.s32 @!p0 $0x0, s1;
	[sflag:s0] =	ssyncset.done @!p0 $0x0  }
0x2ae: {  	[sflag:s0] =	ssyncadd.s32 @!p0 s1  }
0x2af: {  	[bflag:$0x3] =	sbarrier.arrive $0xFFFF  }
0x2b0: {  	_ =	shalt  }

</sc_bundles>
